<compile_context>
chip_gen: v7x
topology: tpu7x:2x2x1
jax: 0.10.2.dev20260603
libtpu: 0.0.44.dev20260713+nightly
codegen_flags: <defaults>
</compile_context>

<pallas_src>
import functools

import jax
import jax.numpy as jnp
from jax import lax
from jax.experimental import pallas as pl
from jax.experimental.pallas import tpu as pltpu
from jax.experimental.pallas import tpu_sc as plsc

N, H, W = 16, 512, 512
M = N * H * W
PLANE = H * W
EPS = 1e-6
ALPHA, BETA, OHEM_RATIO = 1.0, 10.0, 3.0

NC, NS, L = 2, 16, 16
NT = NC * NS
PT = M // NT
CH = 8192
CHR = CH // W
NCHUNK = PT // CH
NB = 2048
NBR, NBC = 16, 128
NACC = 4
ACCW = NACC * L
PER = PT // L
RENORM = 64

_LN2 = 0.6931471805599453


def _sc_body(preds_hbm, gt_hbm, cnt_out, acc_out,
             p0, g0, p1, g1, p2, g2, p3, g3,
             hc_v, acc_v, sem0, sem1, sem2, sem3):
    bufs = ((p0, g0), (p1, g1), (p2, g2), (p3, g3))
    sems = (sem0, sem1, sem2, sem3)
    wid = lax.axis_index("s") * NC + lax.axis_index("c")
    img = wid // 2
    half = wid % 2
    prow = (img * 3) * H + half * (H // 2)
    grow = img * H + half * (H // 2)

    zero16 = jnp.zeros((L,), jnp.float32)

    def _zero(i, _):
        r = i // (NBC // L)
        cid = (i % (NBC // L)) * L
        hc_v[r, pl.ds(cid, L)] = zero16
        return 0

    lax.fori_loop(0, NB // L, _zero, 0)

    ones16 = jnp.full((L,), 1.0, jnp.float32)

    def srcs(c):
        off = c * CHR
        return (preds_hbm.at[pl.ds(prow + off, CHR), :],
                gt_hbm.at[pl.ds(grow + off, CHR), :])

    def start_chunk(c, b):
        for s, d in zip(srcs(c), bufs[b]):
            pltpu.async_copy(s, d, sems[b])

    def wait_chunk(c, b):
        for s, d in zip(srcs(c), bufs[b]):
            pltpu.make_async_copy(s, d, sems[b]).wait()

    def renorm(prod, eacc):
        bits = plsc.bitcast(prod, jnp.int32)
        eacc = eacc + ((bits >> 23) - 127)
        prod = plsc.bitcast((bits & 0x007FFFFF) | 0x3F800000, jnp.float32)
        return prod, eacc

    def compute_chunk_a(b, ca):
        p_v, g_v = bufs[b][0], bufs[b][1]

        def blk_body(bi, ca):
            lo = bi * (RENORM * L)

            def vec_body(o, c):
                pt, et, pn, en = c
                r = o >> 9
                cc = o & (W - 1)
                p = p_v[r, pl.ds(cc, L)]
                g = g_v[r, pl.ds(cc, L)]
                is_pos = g > 0.5
                q = jnp.where(is_pos, p, 1.0 - p)
                bits = plsc.bitcast(q, jnp.int32)
                sh = bits >> 23
                m = plsc.bitcast(
                    (bits & 0x007FFFFF) | 0x3F800000, jnp.float32)
                et = et + sh
                pt = pt * m
                en = en + jnp.where(is_pos, 127, sh)
                pn = pn * jnp.where(is_pos, 1.0, m)
                pb = plsc.bitcast(p + 1.0, jnp.int32)
                idx_r = (pb >> 19) & (NBR - 1)
                idx_c = (pb >> 12) & (NBC - 1)
                neg = jnp.logical_not(is_pos)
                plsc.addupdate_scatter(hc_v, [idx_r, idx_c], ones16, mask=neg)
                return (pt, et, pn, en)

            c = plsc.parallel_loop(
                lo, lo + RENORM * L, step=L, unroll=4, carry=ca)(vec_body)
            pt, et, pn, en = c
            pt, et = renorm(pt, et)
            pn, en = renorm(pn, en)
            return (pt, et, pn, en)

        return lax.fori_loop(0, CH // (RENORM * L), blk_body, ca)

    NRING = 4
    for b in range(NRING - 1):
        start_chunk(b, b)

    def quad_body(gi, ca):
        for b in range(NRING):
            c = gi * NRING + b

            @pl.when(c + NRING - 1 < NCHUNK)
            def _():
                start_chunk(c + NRING - 1, (b + NRING - 1) % NRING)

            wait_chunk(c, b)
            ca = compute_chunk_a(b, ca)
        return ca

    zi = jnp.zeros((L,), jnp.int32)
    onef = jnp.full((L,), 1.0, jnp.float32)
    init = (onef, zi, onef, zi)
    pt, et, pn, en = lax.fori_loop(0, NCHUNK // NRING, quad_body, init)

    accs = (pt, et.astype(jnp.float32), pn, en.astype(jnp.float32))
    for j, a in enumerate(accs):
        acc_v[pl.ds(j * L, L)] = a

    pltpu.sync_copy(hc_v, cnt_out.at[wid])
    pltpu.sync_copy(acc_v, acc_out.at[wid])


_sc_main = functools.partial(
    pl.kernel,
    out_type=[
        jax.ShapeDtypeStruct((NT, NBR, NBC), jnp.float32),
        jax.ShapeDtypeStruct((NT, ACCW), jnp.float32),
    ],
    mesh=plsc.VectorSubcoreMesh(
        core_axis_name="c", subcore_axis_name="s",
        num_cores=NC, num_subcores=NS),
    scratch_types=(
        [pltpu.VMEM((CHR, W), jnp.float32)] * 8
        + [
            pltpu.VMEM((NBR, NBC), jnp.float32),
            pltpu.VMEM((ACCW,), jnp.float32),
        ]
        + [pltpu.SemaphoreType.DMA] * 4
    ),
    compiler_params=pltpu.CompilerParams(needs_layout_passes=False),
)(_sc_body)


def _tc_reduce_body(t_ref, b_ref, tm_ref, g_ref, o_ref):
    t = t_ref[0, 0]
    b = b_ref[0, 0]
    tm = tm_ref[0]
    g = g_ref[0]
    l1s = jnp.sum(jnp.abs(t - tm))
    bsum = jnp.sum(b)
    bgsum = jnp.sum(b * g)
    pcnt = jnp.sum(g)

    @pl.when(pl.program_id(0) == 0)
    def _():
        o_ref[0] = 0.0
        o_ref[1] = 0.0
        o_ref[2] = 0.0
        o_ref[3] = 0.0

    o_ref[0] += l1s
    o_ref[1] += bsum
    o_ref[2] += bgsum
    o_ref[3] += pcnt


_tc_reduce = pl.pallas_call(
    _tc_reduce_body,
    grid=(N,),
    in_specs=[
        pl.BlockSpec((1, 1, H, W), lambda i: (i, 1, 0, 0)),
        pl.BlockSpec((1, 1, H, W), lambda i: (i, 2, 0, 0)),
        pl.BlockSpec((1, H, W), lambda i: (i, 0, 0)),
        pl.BlockSpec((1, H, W), lambda i: (i, 0, 0)),
    ],
    out_shape=jax.ShapeDtypeStruct((4,), jnp.float32),
    out_specs=pl.BlockSpec(memory_space=pltpu.SMEM),
)


def _prefix_2d(x):
    upper = (lax.broadcasted_iota(jnp.int32, (NBC, NBC), 0)
             <= lax.broadcasted_iota(jnp.int32, (NBC, NBC), 1)
             ).astype(jnp.float32)
    strict_lower = (lax.broadcasted_iota(jnp.int32, (NBR, NBR), 1)
                    < lax.broadcasted_iota(jnp.int32, (NBR, NBR), 0)
                    ).astype(jnp.float32)
    row_pref = jnp.dot(x, upper, preferred_element_type=jnp.float32)
    row_tot = row_pref[:, NBC - 1:NBC]
    row_off = jnp.dot(strict_lower, row_tot,
                      preferred_element_type=jnp.float32)
    return row_pref + row_off


def _combine_body(cnt_ref, acc_ref, tc_ref, o_ref):
    cnt = jnp.sum(cnt_ref[...], axis=0)
    binf = (lax.broadcasted_iota(jnp.int32, (NBR, NBC), 0) * NBC
            + lax.broadcasted_iota(jnp.int32, (NBR, NBC), 1)
            ).astype(jnp.float32)
    u2 = 1.0 - binf * (1.0 / float(NB))
    u1 = jnp.maximum(1.0 - (binf + 1.0) * (1.0 / float(NB)), 1e-30)
    lut = (u2 - u2 * jnp.log(u2) - (u1 - u1 * jnp.log(u1))) * float(NB)
    hsum = cnt * lut
    acc = acc_ref[...]
    pt = acc[:, 0 * L:1 * L]
    et = acc[:, 1 * L:2 * L]
    pn = acc[:, 2 * L:3 * L]
    en = acc[:, 3 * L:4 * L]
    ebias = 127.0 * float(PER)
    tls = -jnp.sum(jnp.log(pt) + _LN2 * (et - ebias))
    nls = -jnp.sum(jnp.log(pn) + _LN2 * (en - ebias))
    pls = tls - nls
    l1s = tc_ref[0]
    bsum = tc_ref[1]
    bgsum = tc_ref[2]
    pcnt = tc_ref[3]

    neg_total = float(M) - pcnt
    k = jnp.minimum(neg_total, jnp.floor(pcnt * OHEM_RATIO))

    pref_c = _prefix_2d(cnt)
    pref_s = _prefix_2d(hsum)
    tot_c = jnp.sum(cnt)
    tot_s = jnp.sum(hsum)
    suf_c = tot_c - pref_c + cnt
    suf_s = tot_s - pref_s + hsum
    sel = jnp.logical_and(suf_c >= k, (suf_c - cnt) < k).astype(jnp.float32)
    c_above = jnp.sum(sel * (suf_c - cnt))
    s_above = jnp.sum(sel * (suf_s - hsum))
    cb = jnp.sum(sel * cnt)
    sb = jnp.sum(sel * hsum)
    top_part = s_above + (k - c_above) * sb / jnp.maximum(cb, 1.0)
    neg_top = jnp.where(k >= neg_total, nls, top_part)

    loss_prob = jnp.where(
        pcnt > 0.0, (pls + neg_top) / (pcnt + k + EPS), 0.0)
    loss_thresh = l1s / (float(M) + EPS)
    loss_binary = 1.0 - 2.0 * bgsum / (bsum + pcnt + EPS)
    total = loss_prob + ALPHA * loss_binary + BETA * loss_thresh
    o_ref[0] = total
    o_ref[1] = loss_prob
    o_ref[2] = loss_thresh
    o_ref[3] = loss_binary


_combine = pl.pallas_call(
    _combine_body,
    in_specs=[
        pl.BlockSpec(memory_space=pltpu.VMEM),
        pl.BlockSpec(memory_space=pltpu.VMEM),
        pl.BlockSpec(memory_space=pltpu.SMEM),
    ],
    out_shape=jax.ShapeDtypeStruct((4,), jnp.float32),
    out_specs=pl.BlockSpec(memory_space=pltpu.SMEM),
)


def kernel(preds, gt, mask, thresh_map, thresh_mask):
    del mask, thresh_mask
    preds2d = preds.reshape(N * 3 * H, W)
    gt2d = gt.reshape(N * H, W)
    cnt, acc = _sc_main(preds2d, gt2d)
    tcout = _tc_reduce(preds, preds, thresh_map, gt)
    out = _combine(cnt, acc, tcout)
    return (out[0], out[1], out[2], out[3])

# --- scband reference (transcript-rebuilt; emitter-appended) ---
"""Pipeline reference for scband-dbloss-20478404067801 (READ-ONLY COPY).

The authoritative reference and input builder live on the scoring server;
editing this copy changes nothing except your own understanding.
"""

import jax, jax.numpy as jnp
import numpy as np

N, H, W = 16, 512, 512
EPS = 1e-6
ALPHA, BETA, OHEM_RATIO = 1.0, 10.0, 3.0


def setup_inputs(seed: int = 0):
    key = jax.random.key(seed)
    k1, k2, k3 = jax.random.split(key, 3)
    preds = jax.random.uniform(k1, (N, 3, H, W), dtype=jnp.float32)
    gt = jax.random.randint(k2, (N, H, W), 0, 2).astype(jnp.float32)
    mask = jnp.ones((N, H, W), dtype=jnp.float32)
    thresh_map = jax.random.uniform(k3, (N, H, W), dtype=jnp.float32)
    thresh_mask = jnp.ones((N, H, W), dtype=jnp.float32)
    return {"preds": preds, "gt": gt, "mask": mask,
            "thresh_map": thresh_map, "thresh_mask": thresh_mask}


def _bce_no_reduce(pred, gt):
    # matches torch binary_cross_entropy(reduction='none') with log clamp at -100
    log_p = jnp.clip(jnp.log(pred), -100.0, None)
    log_1mp = jnp.clip(jnp.log(1.0 - pred), -100.0, None)
    return -(gt * log_p + (1.0 - gt) * log_1mp)


def reference(preds, gt, mask, thresh_map, thresh_mask):
    pred_prob = preds[:, 0, :, :]
    pred_thresh = preds[:, 1, :, :]
    pred_binary = preds[:, 2, :, :]

    # BalanceCrossEntropyLoss (OHEM)
    positive = (gt * mask)          # values in {0,1}, byte() is identity here
    negative = ((1.0 - gt) * mask)
    positive_count = positive.sum().astype(jnp.int32)
    negative_count = jnp.minimum(
        negative.sum().astype(jnp.int32),
        (positive_count.astype(jnp.float32) * OHEM_RATIO).astype(jnp.int32))
    loss = _bce_no_reduce(pred_prob, gt)
    positive_loss = loss * positive
    negative_loss = (loss * negative).reshape(-1)
    neg_sorted = jnp.sort(negative_loss)[::-1]
    neg_top_sum = jnp.sum(jnp.where(
        jnp.arange(neg_sorted.shape[0]) < negative_count, neg_sorted, 0.0))
    loss_prob_ohem = (positive_loss.sum() + neg_top_sum) / (
        (positive_count + negative_count).astype(jnp.float32) + EPS)
    loss_prob = jnp.where(positive_count == 0, preds.sum() * 0.0, loss_prob_ohem)

    # MaskL1Loss
    loss_thresh = (jnp.abs(pred_thresh - thresh_map) * thresh_mask).sum() / (
        thresh_mask.sum() + EPS)

    # DiceLoss
    intersection = jnp.sum(pred_binary * gt * mask)
    union = jnp.sum(pred_binary * mask) + jnp.sum(gt * mask) + EPS
    loss_binary = 1.0 - 2.0 * intersection / union

    total = loss_prob + ALPHA * loss_binary + BETA * loss_thresh
    return (total, loss_prob, loss_thresh, loss_binary)

if __name__ == "__main__":
    import jax
    _d = setup_inputs()
    print(jax.jit(kernel)(*tuple(_d.values())))

</pallas_src>

<mosaic_0001>
#map = affine_map<(d0, d1) -> (0, 0)>
#map1 = affine_map<(d0, d1) -> (0, 0, 0)>
module attributes {stable_mosaic.version = 14 : i64} {
  func.func @_sc_body(%arg0: i32, %arg1: i32, %arg2: memref<24576x512xf32, #tpu.memory_space<hbm>>, %arg3: memref<8192x512xf32, #tpu.memory_space<hbm>>, %arg4: memref<32x16x128xf32, #tpu.memory_space<hbm>>, %arg5: memref<32x64xf32, #tpu.memory_space<hbm>>, %arg6: memref<16x512xf32, #tpu.memory_space<vmem>>, %arg7: memref<16x512xf32, #tpu.memory_space<vmem>>, %arg8: memref<16x512xf32, #tpu.memory_space<vmem>>, %arg9: memref<16x512xf32, #tpu.memory_space<vmem>>, %arg10: memref<16x512xf32, #tpu.memory_space<vmem>>, %arg11: memref<16x512xf32, #tpu.memory_space<vmem>>, %arg12: memref<16x512xf32, #tpu.memory_space<vmem>>, %arg13: memref<16x512xf32, #tpu.memory_space<vmem>>, %arg14: memref<16x128xf32, #tpu.memory_space<vmem>>, %arg15: memref<64xf32, #tpu.memory_space<vmem>>, %arg16: memref<!tpu.dma_semaphore, #tpu.memory_space<semaphore_mem>>, %arg17: memref<!tpu.dma_semaphore, #tpu.memory_space<semaphore_mem>>, %arg18: memref<!tpu.dma_semaphore, #tpu.memory_space<semaphore_mem>>, %arg19: memref<!tpu.dma_semaphore, #tpu.memory_space<semaphore_mem>>) attributes {dimension_semantics = [#tpu.dimension_semantics<core_parallel>, #tpu.dimension_semantics<subcore_parallel>], iteration_bounds = array<i64: 2, 16>, scalar_prefetch = 0 : i64, scratch_operands = 14 : i64, tpu.core_type = #tpu.core_type<sc_vector_subcore>, window_params = [{transform_indices = #map}, {transform_indices = #map}, {transform_indices = #map1}, {transform_indices = #map}]} {
    %mul3A = arith.constant 2 : i32
    %mul3A_0 = arith.muli %arg1, %mul3A : i32
    %add3A = arith.addi %mul3A_0, %arg0 : i32
    %jit3A = arith.constant 2 : i32
    %div3A = arith.divsi %add3A, %jit3A : i32
    %sign3A = arith.constant 0 : i32
    %sign3A_1 = arith.cmpi sgt, %add3A, %sign3A : i32
    %sign3A_2 = arith.extui %sign3A_1 : i1 to i32
    %sign3A_3 = arith.constant 0 : i32
    %sign3A_4 = arith.cmpi slt, %add3A, %sign3A_3 : i32
    %sign3A_5 = arith.extui %sign3A_4 : i1 to i32
    %sign3A_6 = arith.subi %sign3A_2, %sign3A_5 : i32
    %sign3A_7 = arith.constant 0 : i32
    %sign3A_8 = arith.cmpi sgt, %jit3A, %sign3A_7 : i32
    %sign3A_9 = arith.extui %sign3A_8 : i1 to i32
    %sign3A_10 = arith.constant 0 : i32
    %sign3A_11 = arith.cmpi slt, %jit3A, %sign3A_10 : i32
    %sign3A_12 = arith.extui %sign3A_11 : i1 to i32
    %sign3A_13 = arith.subi %sign3A_9, %sign3A_12 : i32
    %ne3A = arith.cmpi ne, %sign3A_6, %sign3A_13 : i32
    %rem3A = arith.remsi %add3A, %jit3A : i32
    %ne3A_14 = arith.constant 0 : i32
    %ne3A_15 = arith.cmpi ne, %rem3A, %ne3A_14 : i32
    %and3A = arith.andi %ne3A, %ne3A_15 : i1
    %sub3A = arith.constant 1 : i32
    %sub3A_16 = arith.subi %div3A, %sub3A : i32
    %select_n3A = arith.select %and3A, %sub3A_16, %div3A : i32
    %jit3A_17 = arith.constant 2 : i32
    %eq3A = arith.constant 0 : i32
    %eq3A_18 = arith.cmpi eq, %jit3A_17, %eq3A : i32
    %jit3A_19 = arith.constant 1 : i32
    %select_n3A_20 = arith.select %eq3A_18, %jit3A_19, %jit3A_17 : i32
    %rem3A_21 = arith.remsi %add3A, %select_n3A_20 : i32
    %ne3A_22 = arith.constant 0 : i32
    %ne3A_23 = arith.cmpi ne, %rem3A_21, %ne3A_22 : i32
    %lt3A = arith.constant 0 : i32
    %lt3A_24 = arith.cmpi slt, %rem3A_21, %lt3A : i32
    %lt3A_25 = arith.constant 0 : i32
    %lt3A_26 = arith.cmpi slt, %select_n3A_20, %lt3A_25 : i32
    %ne3A_27 = arith.xori %lt3A_24, %lt3A_26 : i1
    %and3A_28 = arith.andi %ne3A_27, %ne3A_23 : i1
    %add3A_29 = arith.addi %rem3A_21, %select_n3A_20 : i32
    %select_n3A_30 = arith.select %and3A_28, %add3A_29, %rem3A_21 : i32
    %mul3A_31 = arith.constant 3 : i32
    %mul3A_32 = arith.muli %select_n3A, %mul3A_31 : i32
    %mul3A_33 = arith.constant 512 : i32
    %mul3A_34 = arith.muli %mul3A_32, %mul3A_33 : i32
    %mul3A_35 = arith.constant 256 : i32
    %mul3A_36 = arith.muli %select_n3A_30, %mul3A_35 : i32
    %add3A_37 = arith.addi %mul3A_34, %mul3A_36 : i32
    %mul3A_38 = arith.constant 512 : i32
    %mul3A_39 = arith.muli %select_n3A, %mul3A_38 : i32
    %mul3A_40 = arith.constant 256 : i32
    %mul3A_41 = arith.muli %select_n3A_30, %mul3A_40 : i32
    %add3A_42 = arith.addi %mul3A_39, %mul3A_41 : i32
    %broadcast_in_dim3A = arith.constant 0.000000e+00 : f32
    %broadcast_in_dim3A_43 = vector.broadcast %broadcast_in_dim3A : f32 to vector<16xf32>
    %scan3A = arith.constant 0 : i32
    %scan3A_44 = arith.constant 0 : i32
    %scan3A_45 = arith.constant 128 : i32
    %scan3A_46 = arith.addi %scan3A_44, %scan3A_45 : i32
    %scan3A_47 = arith.constant 1 : i32
    %scan3A_48 = scf.for %scan3A_105 = %scan3A_44 to %scan3A_46 step %scan3A_47 iter_args(%scan3A_106 = %scan3A) -> (i32)  : i32 {
      %jit3A_107 = arith.constant 8 : i32
      %div3A_108 = arith.divsi %scan3A_105, %jit3A_107 : i32
      %sign3A_109 = arith.constant 0 : i32
      %sign3A_110 = arith.cmpi sgt, %scan3A_105, %sign3A_109 : i32
      %sign3A_111 = arith.extui %sign3A_110 : i1 to i32
      %sign3A_112 = arith.constant 0 : i32
      %sign3A_113 = arith.cmpi slt, %scan3A_105, %sign3A_112 : i32
      %sign3A_114 = arith.extui %sign3A_113 : i1 to i32
      %sign3A_115 = arith.subi %sign3A_111, %sign3A_114 : i32
      %sign3A_116 = arith.constant 0 : i32
      %sign3A_117 = arith.cmpi sgt, %jit3A_107, %sign3A_116 : i32
      %sign3A_118 = arith.extui %sign3A_117 : i1 to i32
      %sign3A_119 = arith.constant 0 : i32
      %sign3A_120 = arith.cmpi slt, %jit3A_107, %sign3A_119 : i32
      %sign3A_121 = arith.extui %sign3A_120 : i1 to i32
      %sign3A_122 = arith.subi %sign3A_118, %sign3A_121 : i32
      %ne3A_123 = arith.cmpi ne, %sign3A_115, %sign3A_122 : i32
      %rem3A_124 = arith.remsi %scan3A_105, %jit3A_107 : i32
      %ne3A_125 = arith.constant 0 : i32
      %ne3A_126 = arith.cmpi ne, %rem3A_124, %ne3A_125 : i32
      %and3A_127 = arith.andi %ne3A_123, %ne3A_126 : i1
      %sub3A_128 = arith.constant 1 : i32
      %sub3A_129 = arith.subi %div3A_108, %sub3A_128 : i32
      %select_n3A_130 = arith.select %and3A_127, %sub3A_129, %div3A_108 : i32
      %jit3A_131 = arith.constant 8 : i32
      %eq3A_132 = arith.constant 0 : i32
      %eq3A_133 = arith.cmpi eq, %jit3A_131, %eq3A_132 : i32
      %jit3A_134 = arith.constant 1 : i32
      %select_n3A_135 = arith.select %eq3A_133, %jit3A_134, %jit3A_131 : i32
      %rem3A_136 = arith.remsi %scan3A_105, %select_n3A_135 : i32
      %ne3A_137 = arith.constant 0 : i32
      %ne3A_138 = arith.cmpi ne, %rem3A_136, %ne3A_137 : i32
      %lt3A_139 = arith.constant 0 : i32
      %lt3A_140 = arith.cmpi slt, %rem3A_136, %lt3A_139 : i32
      %lt3A_141 = arith.constant 0 : i32
      %lt3A_142 = arith.cmpi slt, %select_n3A_135, %lt3A_141 : i32
      %ne3A_143 = arith.xori %lt3A_140, %lt3A_142 : i1
      %and3A_144 = arith.andi %ne3A_143, %ne3A_138 : i1
      %add3A_145 = arith.addi %rem3A_136, %select_n3A_135 : i32
      %select_n3A_146 = arith.select %and3A_144, %add3A_145, %rem3A_136 : i32
      %mul3A_147 = arith.constant 16 : i32
      %mul3A_148 = arith.muli %select_n3A_146, %mul3A_147 : i32
      %swap3A_149 = arith.index_cast %select_n3A_130 : i32 to index
      %swap3A_150 = arith.index_cast %mul3A_148 : i32 to index
      %swap3A_151 = tpu.vector_load %arg14[%swap3A_149, %swap3A_150] {strides = array<i32>} : memref<16x128xf32, #tpu.memory_space<vmem>>, vector<16xf32>,
      tpu.vector_store %arg14[%swap3A_149, %swap3A_150], %broadcast_in_dim3A_43 {strides = array<i32>} : memref<16x128xf32, #tpu.memory_space<vmem>>, vector<16xf32>,
      %scan3A_152 = arith.constant 0 : i32
      scf.yield %scan3A_152 : i32
    }
    %scan3A_49 = arith.constant 128 : i32
    %broadcast_in_dim3A_50 = arith.constant 1.000000e+00 : f32
    %broadcast_in_dim3A_51 = vector.broadcast %broadcast_in_dim3A_50 : f32 to vector<16xf32>
    %add3A_52 = arith.constant 0 : i32
    %add3A_53 = arith.addi %add3A_37, %add3A_52 : i32
    %add3A_54 = arith.constant 0 : i32
    %add3A_55 = arith.addi %add3A_42, %add3A_54 : i32
    %dma_start3A = arith.constant 0 : i32
    %dma_start3A_56 = tpu.memref_slice %arg2[%add3A_53, %dma_start3A] : memref<24576x512xf32, #tpu.memory_space<hbm>> -> memref<16x512xf32, #tpu.memory_space<hbm>>
    %dma_start3A_57 = arith.constant 0 : i32
    %dma_start3A_58 = tpu.memref_slice %arg2[%add3A_53, %dma_start3A_57] : memref<24576x512xf32, #tpu.memory_space<hbm>> -> memref<16x512xf32, #tpu.memory_space<hbm>>
    tpu.enqueue_dma source(%dma_start3A_58 : memref<16x512xf32, #tpu.memory_space<hbm>>) target(%arg6 : memref<16x512xf32, #tpu.memory_space<vmem>>) target_semaphore(%arg16 : memref<!tpu.dma_semaphore, #tpu.memory_space<semaphore_mem>>)
    %dma_start3A_59 = arith.constant 0 : i32
    %dma_start3A_60 = tpu.memref_slice %arg3[%add3A_55, %dma_start3A_59] : memref<8192x512xf32, #tpu.memory_space<hbm>> -> memref<16x512xf32, #tpu.memory_space<hbm>>
    %dma_start3A_61 = arith.constant 0 : i32
    %dma_start3A_62 = tpu.memref_slice %arg3[%add3A_55, %dma_start3A_61] : memref<8192x512xf32, #tpu.memory_space<hbm>> -> memref<16x512xf32, #tpu.memory_space<hbm>>
    tpu.enqueue_dma source(%dma_start3A_62 : memref<16x512xf32, #tpu.memory_space<hbm>>) target(%arg7 : memref<16x512xf32, #tpu.memory_space<vmem>>) target_semaphore(%arg16 : memref<!tpu.dma_semaphore, #tpu.memory_space<semaphore_mem>>)
    %add3A_63 = arith.constant 16 : i32
    %add3A_64 = arith.addi %add3A_37, %add3A_63 : i32
    %add3A_65 = arith.constant 16 : i32
    %add3A_66 = arith.addi %add3A_42, %add3A_65 : i32
    %dma_start3A_67 = arith.constant 0 : i32
    %dma_start3A_68 = tpu.memref_slice %arg2[%add3A_64, %dma_start3A_67] : memref<24576x512xf32, #tpu.memory_space<hbm>> -> memref<16x512xf32, #tpu.memory_space<hbm>>
    %dma_start3A_69 = arith.constant 0 : i32
    %dma_start3A_70 = tpu.memref_slice %arg2[%add3A_64, %dma_start3A_69] : memref<24576x512xf32, #tpu.memory_space<hbm>> -> memref<16x512xf32, #tpu.memory_space<hbm>>
    tpu.enqueue_dma source(%dma_start3A_70 : memref<16x512xf32, #tpu.memory_space<hbm>>) target(%arg8 : memref<16x512xf32, #tpu.memory_space<vmem>>) target_semaphore(%arg17 : memref<!tpu.dma_semaphore, #tpu.memory_space<semaphore_mem>>)
    %dma_start3A_71 = arith.constant 0 : i32
    %dma_start3A_72 = tpu.memref_slice %arg3[%add3A_66, %dma_start3A_71] : memref<8192x512xf32, #tpu.memory_space<hbm>> -> memref<16x512xf32, #tpu.memory_space<hbm>>
    %dma_start3A_73 = arith.constant 0 : i32
    %dma_start3A_74 = tpu.memref_slice %arg3[%add3A_66, %dma_start3A_73] : memref<8192x512xf32, #tpu.memory_space<hbm>> -> memref<16x512xf32, #tpu.memory_space<hbm>>
    tpu.enqueue_dma source(%dma_start3A_74 : memref<16x512xf32, #tpu.memory_space<hbm>>) target(%arg9 : memref<16x512xf32, #tpu.memory_space<vmem>>) target_semaphore(%arg17 : memref<!tpu.dma_semaphore, #tpu.memory_space<semaphore_mem>>)
    %add3A_75 = arith.constant 32 : i32
    %add3A_76 = arith.addi %add3A_37, %add3A_75 : i32
    %add3A_77 = arith.constant 32 : i32
    %add3A_78 = arith.addi %add3A_42, %add3A_77 : i32
    %dma_start3A_79 = arith.constant 0 : i32
    %dma_start3A_80 = tpu.memref_slice %arg2[%add3A_76, %dma_start3A_79] : memref<24576x512xf32, #tpu.memory_space<hbm>> -> memref<16x512xf32, #tpu.memory_space<hbm>>
    %dma_start3A_81 = arith.constant 0 : i32
    %dma_start3A_82 = tpu.memref_slice %arg2[%add3A_76, %dma_start3A_81] : memref<24576x512xf32, #tpu.memory_space<hbm>> -> memref<16x512xf32, #tpu.memory_space<hbm>>
    tpu.enqueue_dma source(%dma_start3A_82 : memref<16x512xf32, #tpu.memory_space<hbm>>) target(%arg10 : memref<16x512xf32, #tpu.memory_space<vmem>>) target_semaphore(%arg18 : memref<!tpu.dma_semaphore, #tpu.memory_space<semaphore_mem>>)
    %dma_start3A_83 = arith.constant 0 : i32
    %dma_start3A_84 = tpu.memref_slice %arg3[%add3A_78, %dma_start3A_83] : memref<8192x512xf32, #tpu.memory_space<hbm>> -> memref<16x512xf32, #tpu.memory_space<hbm>>
    %dma_start3A_85 = arith.constant 0 : i32
    %dma_start3A_86 = tpu.memref_slice %arg3[%add3A_78, %dma_start3A_85] : memref<8192x512xf32, #tpu.memory_space<hbm>> -> memref<16x512xf32, #tpu.memory_space<hbm>>
    tpu.enqueue_dma source(%dma_start3A_86 : memref<16x512xf32, #tpu.memory_space<hbm>>) target(%arg11 : memref<16x512xf32, #tpu.memory_space<vmem>>) target_semaphore(%arg18 : memref<!tpu.dma_semaphore, #tpu.memory_space<semaphore_mem>>)
    %broadcast_in_dim3A_87 = arith.constant 0 : i32
    %broadcast_in_dim3A_88 = vector.broadcast %broadcast_in_dim3A_87 : i32 to vector<16xi32>
    %broadcast_in_dim3A_89 = arith.constant 1.000000e+00 : f32
    %broadcast_in_dim3A_90 = vector.broadcast %broadcast_in_dim3A_89 : f32 to vector<16xf32>
    %scan3A_91 = arith.constant 0 : i32
    %scan3A_92 = arith.constant 4 : i32
    %scan3A_93 = arith.addi %scan3A_91, %scan3A_92 : i32
    %scan3A_94 = arith.constant 1 : i32
    %scan3A_95:4 = scf.for %scan3A_105 = %scan3A_91 to %scan3A_93 step %scan3A_94 iter_args(%scan3A_106 = %broadcast_in_dim3A_90, %scan3A_107 = %broadcast_in_dim3A_88, %scan3A_108 = %broadcast_in_dim3A_90, %scan3A_109 = %broadcast_in_dim3A_88) -> (vector<16xf32>, vector<16xi32>, vector<16xf32>, vector<16xi32>)  : i32 {
      %mul3A_110 = arith.constant 4 : i32
      %mul3A_111 = arith.muli %scan3A_105, %mul3A_110 : i32
      %add3A_112 = arith.constant 0 : i32
      %add3A_113 = arith.addi %mul3A_111, %add3A_112 : i32
      %add3A_114 = arith.constant 4 : i32
      %add3A_115 = arith.addi %add3A_113, %add3A_114 : i32
      %sub3A_116 = arith.constant 1 : i32
      %sub3A_117 = arith.subi %add3A_115, %sub3A_116 : i32
      %lt3A_118 = arith.constant 16 : i32
      %lt3A_119 = arith.cmpi slt, %sub3A_117, %lt3A_118 : i32
      %convert_element_type3A_120 = arith.extui %lt3A_119 : i1 to i32
      %cond3A = arith.constant 0 : i32
      %cond3A_121 = arith.cmpi ne, %convert_element_type3A_120, %cond3A : i32
      scf.if %cond3A_121 {
        %add3A_232 = arith.constant 4 : i32
        %add3A_233 = arith.addi %add3A_113, %add3A_232 : i32
        %sub3A_234 = arith.constant 1 : i32
        %sub3A_235 = arith.subi %add3A_233, %sub3A_234 : i32
        %mul3A_236 = arith.constant 16 : i32
        %mul3A_237 = arith.muli %sub3A_235, %mul3A_236 : i32
        %add3A_238 = arith.addi %add3A_37, %mul3A_237 : i32
        %add3A_239 = arith.addi %add3A_42, %mul3A_237 : i32
        %dma_start3A_240 = arith.constant 0 : i32
        %dma_start3A_241 = tpu.memref_slice %arg2[%add3A_238, %dma_start3A_240] : memref<24576x512xf32, #tpu.memory_space<hbm>> -> memref<16x512xf32, #tpu.memory_space<hbm>>
        %dma_start3A_242 = arith.constant 0 : i32
        %dma_start3A_243 = tpu.memref_slice %arg2[%add3A_238, %dma_start3A_242] : memref<24576x512xf32, #tpu.memory_space<hbm>> -> memref<16x512xf32, #tpu.memory_space<hbm>>
        tpu.enqueue_dma source(%dma_start3A_243 : memref<16x512xf32, #tpu.memory_space<hbm>>) target(%arg12 : memref<16x512xf32, #tpu.memory_space<vmem>>) target_semaphore(%arg19 : memref<!tpu.dma_semaphore, #tpu.memory_space<semaphore_mem>>)
        %dma_start3A_244 = arith.constant 0 : i32
        %dma_start3A_245 = tpu.memref_slice %arg3[%add3A_239, %dma_start3A_244] : memref<8192x512xf32, #tpu.memory_space<hbm>> -> memref<16x512xf32, #tpu.memory_space<hbm>>
        %dma_start3A_246 = arith.constant 0 : i32
        %dma_start3A_247 = tpu.memref_slice %arg3[%add3A_239, %dma_start3A_246] : memref<8192x512xf32, #tpu.memory_space<hbm>> -> memref<16x512xf32, #tpu.memory_space<hbm>>
        tpu.enqueue_dma source(%dma_start3A_247 : memref<16x512xf32, #tpu.memory_space<hbm>>) target(%arg13 : memref<16x512xf32, #tpu.memory_space<vmem>>) target_semaphore(%arg19 : memref<!tpu.dma_semaphore, #tpu.memory_space<semaphore_mem>>)
      } else {
      }
      %mul3A_122 = arith.constant 16 : i32
      %mul3A_123 = arith.muli %add3A_113, %mul3A_122 : i32
      %add3A_124 = arith.addi %add3A_37, %mul3A_123 : i32
      %add3A_125 = arith.addi %add3A_42, %mul3A_123 : i32
      %dma_wait3A = arith.constant 0 : i32
      %dma_wait3A_126 = tpu.memref_slice %arg2[%add3A_124, %dma_wait3A] : memref<24576x512xf32, #tpu.memory_space<hbm>> -> memref<16x512xf32, #tpu.memory_space<hbm>>
      %dma_wait3A_127 = arith.constant 0 : i32
      %dma_wait3A_128 = tpu.memref_slice %arg2[%add3A_124, %dma_wait3A_127] : memref<24576x512xf32, #tpu.memory_space<hbm>> -> memref<16x512xf32, #tpu.memory_space<hbm>>
      tpu.wait_dma2 semaphore(%arg16 : memref<!tpu.dma_semaphore, #tpu.memory_space<semaphore_mem>>) src(%dma_wait3A_128 : memref<16x512xf32, #tpu.memory_space<hbm>>) dst(%arg6 : memref<16x512xf32, #tpu.memory_space<vmem>>)
      %dma_wait3A_129 = arith.constant 0 : i32
      %dma_wait3A_130 = tpu.memref_slice %arg3[%add3A_125, %dma_wait3A_129] : memref<8192x512xf32, #tpu.memory_space<hbm>> -> memref<16x512xf32, #tpu.memory_space<hbm>>
      %dma_wait3A_131 = arith.constant 0 : i32
      %dma_wait3A_132 = tpu.memref_slice %arg3[%add3A_125, %dma_wait3A_131] : memref<8192x512xf32, #tpu.memory_space<hbm>> -> memref<16x512xf32, #tpu.memory_space<hbm>>
      tpu.wait_dma2 semaphore(%arg16 : memref<!tpu.dma_semaphore, #tpu.memory_space<semaphore_mem>>) src(%dma_wait3A_132 : memref<16x512xf32, #tpu.memory_space<hbm>>) dst(%arg7 : memref<16x512xf32, #tpu.memory_space<vmem>>)
      %scan3A_133 = arith.constant 0 : i32
      %scan3A_134 = arith.constant 8 : i32
      %scan3A_135 = arith.addi %scan3A_133, %scan3A_134 : i32
      %scan3A_136 = arith.constant 1 : i32
      %scan3A_137:4 = scf.for %scan3A_232 = %scan3A_133 to %scan3A_135 step %scan3A_136 iter_args(%scan3A_233 = %scan3A_106, %scan3A_234 = %scan3A_107, %scan3A_235 = %scan3A_108, %scan3A_236 = %scan3A_109) -> (vector<16xf32>, vector<16xi32>, vector<16xf32>, vector<16xi32>)  : i32 {
        %mul3A_237 = arith.constant 1024 : i32
        %mul3A_238 = arith.muli %scan3A_232, %mul3A_237 : i32
        %add3A_239 = arith.constant 1024 : i32
        %add3A_240 = arith.addi %mul3A_238, %add3A_239 : i32
        %parallel_loop3A = arith.constant 16 : i32
        %parallel_loop3A_241:4 = scf.for %parallel_loop3A_269 = %mul3A_238 to %add3A_240 step %parallel_loop3A iter_args(%parallel_loop3A_270 = %scan3A_233, %parallel_loop3A_271 = %scan3A_234, %parallel_loop3A_272 = %scan3A_235, %parallel_loop3A_273 = %scan3A_236) -> (vector<16xf32>, vector<16xi32>, vector<16xf32>, vector<16xi32>)  : i32 {
          %parallel_loop3A_274 = arith.constant 9 : i32
          %parallel_loop3A_275 = arith.shrsi %parallel_loop3A_269, %parallel_loop3A_274 : i32
          %parallel_loop3A_276 = arith.constant 511 : i32
          %parallel_loop3A_277 = arith.andi %parallel_loop3A_269, %parallel_loop3A_276 : i32
          %parallel_loop3A_278 = arith.index_cast %parallel_loop3A_275 : i32 to index
          %parallel_loop3A_279 = arith.index_cast %parallel_loop3A_277 : i32 to index
          %parallel_loop3A_280 = tpu.vector_load %arg6[%parallel_loop3A_278, %parallel_loop3A_279] {strides = array<i32>} : memref<16x512xf32, #tpu.memory_space<vmem>>, vector<16xf32>,
          %parallel_loop3A_281 = arith.index_cast %parallel_loop3A_275 : i32 to index
          %parallel_loop3A_282 = arith.index_cast %parallel_loop3A_277 : i32 to index
          %parallel_loop3A_283 = tpu.vector_load %arg7[%parallel_loop3A_281, %parallel_loop3A_282] {strides = array<i32>} : memref<16x512xf32, #tpu.memory_space<vmem>>, vector<16xf32>,
          %parallel_loop3A_284 = arith.constant 5.000000e-01 : f32
          %parallel_loop3A_285 = vector.broadcast %parallel_loop3A_284 : f32 to vector<16xf32>
          %parallel_loop3A_286 = arith.cmpf ogt, %parallel_loop3A_283, %parallel_loop3A_285 : vector<16xf32>
          %parallel_loop3A_287 = arith.constant 1.000000e+00 : f32
          %parallel_loop3A_288 = vector.broadcast %parallel_loop3A_287 : f32 to vector<16xf32>
          %parallel_loop3A_289 = arith.subf %parallel_loop3A_288, %parallel_loop3A_280 : vector<16xf32>
          %parallel_loop3A_290 = arith.select %parallel_loop3A_286, %parallel_loop3A_280, %parallel_loop3A_289 : vector<16xi1>, vector<16xf32>
          %parallel_loop3A_291 = vector.bitcast %parallel_loop3A_290 : vector<16xf32> to vector<16xi32>
          %parallel_loop3A_292 = arith.constant 23 : i32
          %parallel_loop3A_293 = vector.broadcast %parallel_loop3A_292 : i32 to vector<16xi32>
          %parallel_loop3A_294 = arith.shrsi %parallel_loop3A_291, %parallel_loop3A_293 : vector<16xi32>
          %parallel_loop3A_295 = arith.constant 8388607 : i32
          %parallel_loop3A_296 = vector.broadcast %parallel_loop3A_295 : i32 to vector<16xi32>
          %parallel_loop3A_297 = arith.andi %parallel_loop3A_291, %parallel_loop3A_296 : vector<16xi32>
          %parallel_loop3A_298 = arith.constant 1065353216 : i32
          %parallel_loop3A_299 = vector.broadcast %parallel_loop3A_298 : i32 to vector<16xi32>
          %parallel_loop3A_300 = arith.ori %parallel_loop3A_297, %parallel_loop3A_299 : vector<16xi32>
          %parallel_loop3A_301 = vector.bitcast %parallel_loop3A_300 : vector<16xi32> to vector<16xf32>
          %parallel_loop3A_302 = arith.addi %parallel_loop3A_271, %parallel_loop3A_294 : vector<16xi32>
          %parallel_loop3A_303 = arith.mulf %parallel_loop3A_270, %parallel_loop3A_301 : vector<16xf32>
          %parallel_loop3A_304 = arith.constant 127 : i32
          %parallel_loop3A_305 = vector.broadcast %parallel_loop3A_304 : i32 to vector<16xi32>
          %parallel_loop3A_306 = arith.select %parallel_loop3A_286, %parallel_loop3A_305, %parallel_loop3A_294 : vector<16xi1>, vector<16xi32>
          %parallel_loop3A_307 = arith.addi %parallel_loop3A_273, %parallel_loop3A_306 : vector<16xi32>
          %parallel_loop3A_308 = arith.constant 1.000000e+00 : f32
          %parallel_loop3A_309 = vector.broadcast %parallel_loop3A_308 : f32 to vector<16xf32>
          %parallel_loop3A_310 = arith.select %parallel_loop3A_286, %parallel_loop3A_309, %parallel_loop3A_301 : vector<16xi1>, vector<16xf32>
          %parallel_loop3A_311 = arith.mulf %parallel_loop3A_272, %parallel_loop3A_310 : vector<16xf32>
          %parallel_loop3A_312 = arith.constant 1.000000e+00 : f32
          %parallel_loop3A_313 = vector.broadcast %parallel_loop3A_312 : f32 to vector<16xf32>
          %parallel_loop3A_314 = arith.addf %parallel_loop3A_280, %parallel_loop3A_313 : vector<16xf32>
          %parallel_loop3A_315 = vector.bitcast %parallel_loop3A_314 : vector<16xf32> to vector<16xi32>
          %parallel_loop3A_316 = arith.constant 19 : i32
          %parallel_loop3A_317 = vector.broadcast %parallel_loop3A_316 : i32 to vector<16xi32>
          %parallel_loop3A_318 = arith.shrsi %parallel_loop3A_315, %parallel_loop3A_317 : vector<16xi32>
          %parallel_loop3A_319 = arith.constant 15 : i32
          %parallel_loop3A_320 = vector.broadcast %parallel_loop3A_319 : i32 to vector<16xi32>
          %parallel_loop3A_321 = arith.andi %parallel_loop3A_318, %parallel_loop3A_320 : vector<16xi32>
          %parallel_loop3A_322 = arith.constant 12 : i32
          %parallel_loop3A_323 = vector.broadcast %parallel_loop3A_322 : i32 to vector<16xi32>
          %parallel_loop3A_324 = arith.shrsi %parallel_loop3A_315, %parallel_loop3A_323 : vector<16xi32>
          %parallel_loop3A_325 = arith.constant 127 : i32
          %parallel_loop3A_326 = vector.broadcast %parallel_loop3A_325 : i32 to vector<16xi32>
          %parallel_loop3A_327 = arith.andi %parallel_loop3A_324, %parallel_loop3A_326 : vector<16xi32>
          %parallel_loop3A_328 = arith.constant dense<true> : vector<16xi1>
          %parallel_loop3A_329 = arith.xori %parallel_loop3A_286, %parallel_loop3A_328 : vector<16xi1>
          tpu.vector_store_idx %arg14[%parallel_loop3A_321, %parallel_loop3A_327], %broadcast_in_dim3A_51 masked %parallel_loop3A_329 {add = true} : memref<16x128xf32, #tpu.memory_space<vmem>>[vector<16xi32>, vector<16xi32>], vector<16xf32>, vector<16xi1>
          scf.yield %parallel_loop3A_303, %parallel_loop3A_302, %parallel_loop3A_311, %parallel_loop3A_307 : vector<16xf32>, vector<16xi32>, vector<16xf32>, vector<16xi32>
        } {sc.loop_unroll_factor = 4 : i64, sc.parallel_access}
        %bitcast3A = vector.bitcast %parallel_loop3A_241#0 : vector<16xf32> to vector<16xi32>
        %shift_right_arithmetic3A = arith.constant 23 : i32
        %shift_right_arithmetic3A_242 = vector.broadcast %shift_right_arithmetic3A : i32 to vector<16xi32>
        %shift_right_arithmetic3A_243 = arith.shrsi %bitcast3A, %shift_right_arithmetic3A_242 : vector<16xi32>
        %sub3A_244 = arith.constant 127 : i32
        %sub3A_245 = vector.broadcast %sub3A_244 : i32 to vector<16xi32>
        %sub3A_246 = arith.subi %shift_right_arithmetic3A_243, %sub3A_245 : vector<16xi32>
        %add3A_247 = arith.addi %parallel_loop3A_241#1, %sub3A_246 : vector<16xi32>
        %and3A_248 = arith.constant 8388607 : i32
        %and3A_249 = vector.broadcast %and3A_248 : i32 to vector<16xi32>
        %and3A_250 = arith.andi %bitcast3A, %and3A_249 : vector<16xi32>
        %or3A = arith.constant 1065353216 : i32
        %or3A_251 = vector.broadcast %or3A : i32 to vector<16xi32>
        %or3A_252 = arith.ori %and3A_250, %or3A_251 : vector<16xi32>
        %bitcast3A_253 = vector.bitcast %or3A_252 : vector<16xi32> to vector<16xf32>
        %bitcast3A_254 = vector.bitcast %parallel_loop3A_241#2 : vector<16xf32> to vector<16xi32>
        %shift_right_arithmetic3A_255 = arith.constant 23 : i32
        %shift_right_arithmetic3A_256 = vector.broadcast %shift_right_arithmetic3A_255 : i32 to vector<16xi32>
        %shift_right_arithmetic3A_257 = arith.shrsi %bitcast3A_254, %shift_right_arithmetic3A_256 : vector<16xi32>
        %sub3A_258 = arith.constant 127 : i32
        %sub3A_259 = vector.broadcast %sub3A_258 : i32 to vector<16xi32>
        %sub3A_260 = arith.subi %shift_right_arithmetic3A_257, %sub3A_259 : vector<16xi32>
        %add3A_261 = arith.addi %parallel_loop3A_241#3, %sub3A_260 : vector<16xi32>
        %and3A_262 = arith.constant 8388607 : i32
        %and3A_263 = vector.broadcast %and3A_262 : i32 to vector<16xi32>
        %and3A_264 = arith.andi %bitcast3A_254, %and3A_263 : vector<16xi32>
        %or3A_265 = arith.constant 1065353216 : i32
        %or3A_266 = vector.broadcast %or3A_265 : i32 to vector<16xi32>
        %or3A_267 = arith.ori %and3A_264, %or3A_266 : vector<16xi32>
        %bitcast3A_268 = vector.bitcast %or3A_267 : vector<16xi32> to vector<16xf32>
        scf.yield %bitcast3A_253, %add3A_247, %bitcast3A_268, %add3A_261 : vector<16xf32>, vector<16xi32>, vector<16xf32>, vector<16xi32>
      }
      %scan3A_138 = arith.constant 8 : i32
      %mul3A_139 = arith.constant 4 : i32
      %mul3A_140 = arith.muli %scan3A_105, %mul3A_139 : i32
      %add3A_141 = arith.constant 1 : i32
      %add3A_142 = arith.addi %mul3A_140, %add3A_141 : i32
      %add3A_143 = arith.constant 4 : i32
      %add3A_144 = arith.addi %add3A_142, %add3A_143 : i32
      %sub3A_145 = arith.constant 1 : i32
      %sub3A_146 = arith.subi %add3A_144, %sub3A_145 : i32
      %lt3A_147 = arith.constant 16 : i32
      %lt3A_148 = arith.cmpi slt, %sub3A_146, %lt3A_147 : i32
      %convert_element_type3A_149 = arith.extui %lt3A_148 : i1 to i32
      %cond3A_150 = arith.constant 0 : i32
      %cond3A_151 = arith.cmpi ne, %convert_element_type3A_149, %cond3A_150 : i32
      scf.if %cond3A_151 {
        %add3A_232 = arith.constant 4 : i32
        %add3A_233 = arith.addi %add3A_142, %add3A_232 : i32
        %sub3A_234 = arith.constant 1 : i32
        %sub3A_235 = arith.subi %add3A_233, %sub3A_234 : i32
        %mul3A_236 = arith.constant 16 : i32
        %mul3A_237 = arith.muli %sub3A_235, %mul3A_236 : i32
        %add3A_238 = arith.addi %add3A_37, %mul3A_237 : i32
        %add3A_239 = arith.addi %add3A_42, %mul3A_237 : i32
        %dma_start3A_240 = arith.constant 0 : i32
        %dma_start3A_241 = tpu.memref_slice %arg2[%add3A_238, %dma_start3A_240] : memref<24576x512xf32, #tpu.memory_space<hbm>> -> memref<16x512xf32, #tpu.memory_space<hbm>>
        %dma_start3A_242 = arith.constant 0 : i32
        %dma_start3A_243 = tpu.memref_slice %arg2[%add3A_238, %dma_start3A_242] : memref<24576x512xf32, #tpu.memory_space<hbm>> -> memref<16x512xf32, #tpu.memory_space<hbm>>
        tpu.enqueue_dma source(%dma_start3A_243 : memref<16x512xf32, #tpu.memory_space<hbm>>) target(%arg6 : memref<16x512xf32, #tpu.memory_space<vmem>>) target_semaphore(%arg16 : memref<!tpu.dma_semaphore, #tpu.memory_space<semaphore_mem>>)
        %dma_start3A_244 = arith.constant 0 : i32
        %dma_start3A_245 = tpu.memref_slice %arg3[%add3A_239, %dma_start3A_244] : memref<8192x512xf32, #tpu.memory_space<hbm>> -> memref<16x512xf32, #tpu.memory_space<hbm>>
        %dma_start3A_246 = arith.constant 0 : i32
        %dma_start3A_247 = tpu.memref_slice %arg3[%add3A_239, %dma_start3A_246] : memref<8192x512xf32, #tpu.memory_space<hbm>> -> memref<16x512xf32, #tpu.memory_space<hbm>>
        tpu.enqueue_dma source(%dma_start3A_247 : memref<16x512xf32, #tpu.memory_space<hbm>>) target(%arg7 : memref<16x512xf32, #tpu.memory_space<vmem>>) target_semaphore(%arg16 : memref<!tpu.dma_semaphore, #tpu.memory_space<semaphore_mem>>)
      } else {
      }
      %mul3A_152 = arith.constant 16 : i32
      %mul3A_153 = arith.muli %add3A_142, %mul3A_152 : i32
      %add3A_154 = arith.addi %add3A_37, %mul3A_153 : i32
      %add3A_155 = arith.addi %add3A_42, %mul3A_153 : i32
      %dma_wait3A_156 = arith.constant 0 : i32
      %dma_wait3A_157 = tpu.memref_slice %arg2[%add3A_154, %dma_wait3A_156] : memref<24576x512xf32, #tpu.memory_space<hbm>> -> memref<16x512xf32, #tpu.memory_space<hbm>>
      %dma_wait3A_158 = arith.constant 0 : i32
      %dma_wait3A_159 = tpu.memref_slice %arg2[%add3A_154, %dma_wait3A_158] : memref<24576x512xf32, #tpu.memory_space<hbm>> -> memref<16x512xf32, #tpu.memory_space<hbm>>
      tpu.wait_dma2 semaphore(%arg17 : memref<!tpu.dma_semaphore, #tpu.memory_space<semaphore_mem>>) src(%dma_wait3A_159 : memref<16x512xf32, #tpu.memory_space<hbm>>) dst(%arg8 : memref<16x512xf32, #tpu.memory_space<vmem>>)
      %dma_wait3A_160 = arith.constant 0 : i32
      %dma_wait3A_161 = tpu.memref_slice %arg3[%add3A_155, %dma_wait3A_160] : memref<8192x512xf32, #tpu.memory_space<hbm>> -> memref<16x512xf32, #tpu.memory_space<hbm>>
      %dma_wait3A_162 = arith.constant 0 : i32
      %dma_wait3A_163 = tpu.memref_slice %arg3[%add3A_155, %dma_wait3A_162] : memref<8192x512xf32, #tpu.memory_space<hbm>> -> memref<16x512xf32, #tpu.memory_space<hbm>>
      tpu.wait_dma2 semaphore(%arg17 : memref<!tpu.dma_semaphore, #tpu.memory_space<semaphore_mem>>) src(%dma_wait3A_163 : memref<16x512xf32, #tpu.memory_space<hbm>>) dst(%arg9 : memref<16x512xf32, #tpu.memory_space<vmem>>)
      %scan3A_164 = arith.constant 0 : i32
      %scan3A_165 = arith.constant 8 : i32
      %scan3A_166 = arith.addi %scan3A_164, %scan3A_165 : i32
      %scan3A_167 = arith.constant 1 : i32
      %scan3A_168:4 = scf.for %scan3A_232 = %scan3A_164 to %scan3A_166 step %scan3A_167 iter_args(%scan3A_233 = %scan3A_137#0, %scan3A_234 = %scan3A_137#1, %scan3A_235 = %scan3A_137#2, %scan3A_236 = %scan3A_137#3) -> (vector<16xf32>, vector<16xi32>, vector<16xf32>, vector<16xi32>)  : i32 {
        %mul3A_237 = arith.constant 1024 : i32
        %mul3A_238 = arith.muli %scan3A_232, %mul3A_237 : i32
        %add3A_239 = arith.constant 1024 : i32
        %add3A_240 = arith.addi %mul3A_238, %add3A_239 : i32
        %parallel_loop3A = arith.constant 16 : i32
        %parallel_loop3A_241:4 = scf.for %parallel_loop3A_269 = %mul3A_238 to %add3A_240 step %parallel_loop3A iter_args(%parallel_loop3A_270 = %scan3A_233, %parallel_loop3A_271 = %scan3A_234, %parallel_loop3A_272 = %scan3A_235, %parallel_loop3A_273 = %scan3A_236) -> (vector<16xf32>, vector<16xi32>, vector<16xf32>, vector<16xi32>)  : i32 {
          %parallel_loop3A_274 = arith.constant 9 : i32
          %parallel_loop3A_275 = arith.shrsi %parallel_loop3A_269, %parallel_loop3A_274 : i32
          %parallel_loop3A_276 = arith.constant 511 : i32
          %parallel_loop3A_277 = arith.andi %parallel_loop3A_269, %parallel_loop3A_276 : i32
          %parallel_loop3A_278 = arith.index_cast %parallel_loop3A_275 : i32 to index
          %parallel_loop3A_279 = arith.index_cast %parallel_loop3A_277 : i32 to index
          %parallel_loop3A_280 = tpu.vector_load %arg8[%parallel_loop3A_278, %parallel_loop3A_279] {strides = array<i32>} : memref<16x512xf32, #tpu.memory_space<vmem>>, vector<16xf32>,
          %parallel_loop3A_281 = arith.index_cast %parallel_loop3A_275 : i32 to index
          %parallel_loop3A_282 = arith.index_cast %parallel_loop3A_277 : i32 to index
          %parallel_loop3A_283 = tpu.vector_load %arg9[%parallel_loop3A_281, %parallel_loop3A_282] {strides = array<i32>} : memref<16x512xf32, #tpu.memory_space<vmem>>, vector<16xf32>,
          %parallel_loop3A_284 = arith.constant 5.000000e-01 : f32
          %parallel_loop3A_285 = vector.broadcast %parallel_loop3A_284 : f32 to vector<16xf32>
          %parallel_loop3A_286 = arith.cmpf ogt, %parallel_loop3A_283, %parallel_loop3A_285 : vector<16xf32>
          %parallel_loop3A_287 = arith.constant 1.000000e+00 : f32
          %parallel_loop3A_288 = vector.broadcast %parallel_loop3A_287 : f32 to vector<16xf32>
          %parallel_loop3A_289 = arith.subf %parallel_loop3A_288, %parallel_loop3A_280 : vector<16xf32>
          %parallel_loop3A_290 = arith.select %parallel_loop3A_286, %parallel_loop3A_280, %parallel_loop3A_289 : vector<16xi1>, vector<16xf32>
          %parallel_loop3A_291 = vector.bitcast %parallel_loop3A_290 : vector<16xf32> to vector<16xi32>
          %parallel_loop3A_292 = arith.constant 23 : i32
          %parallel_loop3A_293 = vector.broadcast %parallel_loop3A_292 : i32 to vector<16xi32>
          %parallel_loop3A_294 = arith.shrsi %parallel_loop3A_291, %parallel_loop3A_293 : vector<16xi32>
          %parallel_loop3A_295 = arith.constant 8388607 : i32
          %parallel_loop3A_296 = vector.broadcast %parallel_loop3A_295 : i32 to vector<16xi32>
          %parallel_loop3A_297 = arith.andi %parallel_loop3A_291, %parallel_loop3A_296 : vector<16xi32>
          %parallel_loop3A_298 = arith.constant 1065353216 : i32
          %parallel_loop3A_299 = vector.broadcast %parallel_loop3A_298 : i32 to vector<16xi32>
          %parallel_loop3A_300 = arith.ori %parallel_loop3A_297, %parallel_loop3A_299 : vector<16xi32>
          %parallel_loop3A_301 = vector.bitcast %parallel_loop3A_300 : vector<16xi32> to vector<16xf32>
          %parallel_loop3A_302 = arith.addi %parallel_loop3A_271, %parallel_loop3A_294 : vector<16xi32>
          %parallel_loop3A_303 = arith.mulf %parallel_loop3A_270, %parallel_loop3A_301 : vector<16xf32>
          %parallel_loop3A_304 = arith.constant 127 : i32
          %parallel_loop3A_305 = vector.broadcast %parallel_loop3A_304 : i32 to vector<16xi32>
          %parallel_loop3A_306 = arith.select %parallel_loop3A_286, %parallel_loop3A_305, %parallel_loop3A_294 : vector<16xi1>, vector<16xi32>
          %parallel_loop3A_307 = arith.addi %parallel_loop3A_273, %parallel_loop3A_306 : vector<16xi32>
          %parallel_loop3A_308 = arith.constant 1.000000e+00 : f32
          %parallel_loop3A_309 = vector.broadcast %parallel_loop3A_308 : f32 to vector<16xf32>
          %parallel_loop3A_310 = arith.select %parallel_loop3A_286, %parallel_loop3A_309, %parallel_loop3A_301 : vector<16xi1>, vector<16xf32>
          %parallel_loop3A_311 = arith.mulf %parallel_loop3A_272, %parallel_loop3A_310 : vector<16xf32>
          %parallel_loop3A_312 = arith.constant 1.000000e+00 : f32
          %parallel_loop3A_313 = vector.broadcast %parallel_loop3A_312 : f32 to vector<16xf32>
          %parallel_loop3A_314 = arith.addf %parallel_loop3A_280, %parallel_loop3A_313 : vector<16xf32>
          %parallel_loop3A_315 = vector.bitcast %parallel_loop3A_314 : vector<16xf32> to vector<16xi32>
          %parallel_loop3A_316 = arith.constant 19 : i32
          %parallel_loop3A_317 = vector.broadcast %parallel_loop3A_316 : i32 to vector<16xi32>
          %parallel_loop3A_318 = arith.shrsi %parallel_loop3A_315, %parallel_loop3A_317 : vector<16xi32>
          %parallel_loop3A_319 = arith.constant 15 : i32
          %parallel_loop3A_320 = vector.broadcast %parallel_loop3A_319 : i32 to vector<16xi32>
          %parallel_loop3A_321 = arith.andi %parallel_loop3A_318, %parallel_loop3A_320 : vector<16xi32>
          %parallel_loop3A_322 = arith.constant 12 : i32
          %parallel_loop3A_323 = vector.broadcast %parallel_loop3A_322 : i32 to vector<16xi32>
          %parallel_loop3A_324 = arith.shrsi %parallel_loop3A_315, %parallel_loop3A_323 : vector<16xi32>
          %parallel_loop3A_325 = arith.constant 127 : i32
          %parallel_loop3A_326 = vector.broadcast %parallel_loop3A_325 : i32 to vector<16xi32>
          %parallel_loop3A_327 = arith.andi %parallel_loop3A_324, %parallel_loop3A_326 : vector<16xi32>
          %parallel_loop3A_328 = arith.constant dense<true> : vector<16xi1>
          %parallel_loop3A_329 = arith.xori %parallel_loop3A_286, %parallel_loop3A_328 : vector<16xi1>
          tpu.vector_store_idx %arg14[%parallel_loop3A_321, %parallel_loop3A_327], %broadcast_in_dim3A_51 masked %parallel_loop3A_329 {add = true} : memref<16x128xf32, #tpu.memory_space<vmem>>[vector<16xi32>, vector<16xi32>], vector<16xf32>, vector<16xi1>
          scf.yield %parallel_loop3A_303, %parallel_loop3A_302, %parallel_loop3A_311, %parallel_loop3A_307 : vector<16xf32>, vector<16xi32>, vector<16xf32>, vector<16xi32>
        } {sc.loop_unroll_factor = 4 : i64, sc.parallel_access}
        %bitcast3A = vector.bitcast %parallel_loop3A_241#0 : vector<16xf32> to vector<16xi32>
        %shift_right_arithmetic3A = arith.constant 23 : i32
        %shift_right_arithmetic3A_242 = vector.broadcast %shift_right_arithmetic3A : i32 to vector<16xi32>
        %shift_right_arithmetic3A_243 = arith.shrsi %bitcast3A, %shift_right_arithmetic3A_242 : vector<16xi32>
        %sub3A_244 = arith.constant 127 : i32
        %sub3A_245 = vector.broadcast %sub3A_244 : i32 to vector<16xi32>
        %sub3A_246 = arith.subi %shift_right_arithmetic3A_243, %sub3A_245 : vector<16xi32>
        %add3A_247 = arith.addi %parallel_loop3A_241#1, %sub3A_246 : vector<16xi32>
        %and3A_248 = arith.constant 8388607 : i32
        %and3A_249 = vector.broadcast %and3A_248 : i32 to vector<16xi32>
        %and3A_250 = arith.andi %bitcast3A, %and3A_249 : vector<16xi32>
        %or3A = arith.constant 1065353216 : i32
        %or3A_251 = vector.broadcast %or3A : i32 to vector<16xi32>
        %or3A_252 = arith.ori %and3A_250, %or3A_251 : vector<16xi32>
        %bitcast3A_253 = vector.bitcast %or3A_252 : vector<16xi32> to vector<16xf32>
        %bitcast3A_254 = vector.bitcast %parallel_loop3A_241#2 : vector<16xf32> to vector<16xi32>
        %shift_right_arithmetic3A_255 = arith.constant 23 : i32
        %shift_right_arithmetic3A_256 = vector.broadcast %shift_right_arithmetic3A_255 : i32 to vector<16xi32>
        %shift_right_arithmetic3A_257 = arith.shrsi %bitcast3A_254, %shift_right_arithmetic3A_256 : vector<16xi32>
        %sub3A_258 = arith.constant 127 : i32
        %sub3A_259 = vector.broadcast %sub3A_258 : i32 to vector<16xi32>
        %sub3A_260 = arith.subi %shift_right_arithmetic3A_257, %sub3A_259 : vector<16xi32>
        %add3A_261 = arith.addi %parallel_loop3A_241#3, %sub3A_260 : vector<16xi32>
        %and3A_262 = arith.constant 8388607 : i32
        %and3A_263 = vector.broadcast %and3A_262 : i32 to vector<16xi32>
        %and3A_264 = arith.andi %bitcast3A_254, %and3A_263 : vector<16xi32>
        %or3A_265 = arith.constant 1065353216 : i32
        %or3A_266 = vector.broadcast %or3A_265 : i32 to vector<16xi32>
        %or3A_267 = arith.ori %and3A_264, %or3A_266 : vector<16xi32>
        %bitcast3A_268 = vector.bitcast %or3A_267 : vector<16xi32> to vector<16xf32>
        scf.yield %bitcast3A_253, %add3A_247, %bitcast3A_268, %add3A_261 : vector<16xf32>, vector<16xi32>, vector<16xf32>, vector<16xi32>
      }
      %scan3A_169 = arith.constant 8 : i32
      %mul3A_170 = arith.constant 4 : i32
      %mul3A_171 = arith.muli %scan3A_105, %mul3A_170 : i32
      %add3A_172 = arith.constant 2 : i32
      %add3A_173 = arith.addi %mul3A_171, %add3A_172 : i32
      %add3A_174 = arith.constant 4 : i32
      %add3A_175 = arith.addi %add3A_173, %add3A_174 : i32
      %sub3A_176 = arith.constant 1 : i32
      %sub3A_177 = arith.subi %add3A_175, %sub3A_176 : i32
      %lt3A_178 = arith.constant 16 : i32
      %lt3A_179 = arith.cmpi slt, %sub3A_177, %lt3A_178 : i32
      %convert_element_type3A_180 = arith.extui %lt3A_179 : i1 to i32
      %cond3A_181 = arith.constant 0 : i32
      %cond3A_182 = arith.cmpi ne, %convert_element_type3A_180, %cond3A_181 : i32
      scf.if %cond3A_182 {
        %add3A_232 = arith.constant 4 : i32
        %add3A_233 = arith.addi %add3A_173, %add3A_232 : i32
        %sub3A_234 = arith.constant 1 : i32
        %sub3A_235 = arith.subi %add3A_233, %sub3A_234 : i32
        %mul3A_236 = arith.constant 16 : i32
        %mul3A_237 = arith.muli %sub3A_235, %mul3A_236 : i32
        %add3A_238 = arith.addi %add3A_37, %mul3A_237 : i32
        %add3A_239 = arith.addi %add3A_42, %mul3A_237 : i32
        %dma_start3A_240 = arith.constant 0 : i32
        %dma_start3A_241 = tpu.memref_slice %arg2[%add3A_238, %dma_start3A_240] : memref<24576x512xf32, #tpu.memory_space<hbm>> -> memref<16x512xf32, #tpu.memory_space<hbm>>
        %dma_start3A_242 = arith.constant 0 : i32
        %dma_start3A_243 = tpu.memref_slice %arg2[%add3A_238, %dma_start3A_242] : memref<24576x512xf32, #tpu.memory_space<hbm>> -> memref<16x512xf32, #tpu.memory_space<hbm>>
        tpu.enqueue_dma source(%dma_start3A_243 : memref<16x512xf32, #tpu.memory_space<hbm>>) target(%arg8 : memref<16x512xf32, #tpu.memory_space<vmem>>) target_semaphore(%arg17 : memref<!tpu.dma_semaphore, #tpu.memory_space<semaphore_mem>>)
        %dma_start3A_244 = arith.constant 0 : i32
        %dma_start3A_245 = tpu.memref_slice %arg3[%add3A_239, %dma_start3A_244] : memref<8192x512xf32, #tpu.memory_space<hbm>> -> memref<16x512xf32, #tpu.memory_space<hbm>>
        %dma_start3A_246 = arith.constant 0 : i32
        %dma_start3A_247 = tpu.memref_slice %arg3[%add3A_239, %dma_start3A_246] : memref<8192x512xf32, #tpu.memory_space<hbm>> -> memref<16x512xf32, #tpu.memory_space<hbm>>
        tpu.enqueue_dma source(%dma_start3A_247 : memref<16x512xf32, #tpu.memory_space<hbm>>) target(%arg9 : memref<16x512xf32, #tpu.memory_space<vmem>>) target_semaphore(%arg17 : memref<!tpu.dma_semaphore, #tpu.memory_space<semaphore_mem>>)
      } else {
      }
      %mul3A_183 = arith.constant 16 : i32
      %mul3A_184 = arith.muli %add3A_173, %mul3A_183 : i32
      %add3A_185 = arith.addi %add3A_37, %mul3A_184 : i32
      %add3A_186 = arith.addi %add3A_42, %mul3A_184 : i32
      %dma_wait3A_187 = arith.constant 0 : i32
      %dma_wait3A_188 = tpu.memref_slice %arg2[%add3A_185, %dma_wait3A_187] : memref<24576x512xf32, #tpu.memory_space<hbm>> -> memref<16x512xf32, #tpu.memory_space<hbm>>
      %dma_wait3A_189 = arith.constant 0 : i32
      %dma_wait3A_190 = tpu.memref_slice %arg2[%add3A_185, %dma_wait3A_189] : memref<24576x512xf32, #tpu.memory_space<hbm>> -> memref<16x512xf32, #tpu.memory_space<hbm>>
      tpu.wait_dma2 semaphore(%arg18 : memref<!tpu.dma_semaphore, #tpu.memory_space<semaphore_mem>>) src(%dma_wait3A_190 : memref<16x512xf32, #tpu.memory_space<hbm>>) dst(%arg10 : memref<16x512xf32, #tpu.memory_space<vmem>>)
      %dma_wait3A_191 = arith.constant 0 : i32
      %dma_wait3A_192 = tpu.memref_slice %arg3[%add3A_186, %dma_wait3A_191] : memref<8192x512xf32, #tpu.memory_space<hbm>> -> memref<16x512xf32, #tpu.memory_space<hbm>>
      %dma_wait3A_193 = arith.constant 0 : i32
      %dma_wait3A_194 = tpu.memref_slice %arg3[%add3A_186, %dma_wait3A_193] : memref<8192x512xf32, #tpu.memory_space<hbm>> -> memref<16x512xf32, #tpu.memory_space<hbm>>
      tpu.wait_dma2 semaphore(%arg18 : memref<!tpu.dma_semaphore, #tpu.memory_space<semaphore_mem>>) src(%dma_wait3A_194 : memref<16x512xf32, #tpu.memory_space<hbm>>) dst(%arg11 : memref<16x512xf32, #tpu.memory_space<vmem>>)
      %scan3A_195 = arith.constant 0 : i32
      %scan3A_196 = arith.constant 8 : i32
      %scan3A_197 = arith.addi %scan3A_195, %scan3A_196 : i32
      %scan3A_198 = arith.constant 1 : i32
      %scan3A_199:4 = scf.for %scan3A_232 = %scan3A_195 to %scan3A_197 step %scan3A_198 iter_args(%scan3A_233 = %scan3A_168#0, %scan3A_234 = %scan3A_168#1, %scan3A_235 = %scan3A_168#2, %scan3A_236 = %scan3A_168#3) -> (vector<16xf32>, vector<16xi32>, vector<16xf32>, vector<16xi32>)  : i32 {
        %mul3A_237 = arith.constant 1024 : i32
        %mul3A_238 = arith.muli %scan3A_232, %mul3A_237 : i32
        %add3A_239 = arith.constant 1024 : i32
        %add3A_240 = arith.addi %mul3A_238, %add3A_239 : i32
        %parallel_loop3A = arith.constant 16 : i32
        %parallel_loop3A_241:4 = scf.for %parallel_loop3A_269 = %mul3A_238 to %add3A_240 step %parallel_loop3A iter_args(%parallel_loop3A_270 = %scan3A_233, %parallel_loop3A_271 = %scan3A_234, %parallel_loop3A_272 = %scan3A_235, %parallel_loop3A_273 = %scan3A_236) -> (vector<16xf32>, vector<16xi32>, vector<16xf32>, vector<16xi32>)  : i32 {
          %parallel_loop3A_274 = arith.constant 9 : i32
          %parallel_loop3A_275 = arith.shrsi %parallel_loop3A_269, %parallel_loop3A_274 : i32
          %parallel_loop3A_276 = arith.constant 511 : i32
          %parallel_loop3A_277 = arith.andi %parallel_loop3A_269, %parallel_loop3A_276 : i32
          %parallel_loop3A_278 = arith.index_cast %parallel_loop3A_275 : i32 to index
          %parallel_loop3A_279 = arith.index_cast %parallel_loop3A_277 : i32 to index
          %parallel_loop3A_280 = tpu.vector_load %arg10[%parallel_loop3A_278, %parallel_loop3A_279] {strides = array<i32>} : memref<16x512xf32, #tpu.memory_space<vmem>>, vector<16xf32>,
          %parallel_loop3A_281 = arith.index_cast %parallel_loop3A_275 : i32 to index
          %parallel_loop3A_282 = arith.index_cast %parallel_loop3A_277 : i32 to index
          %parallel_loop3A_283 = tpu.vector_load %arg11[%parallel_loop3A_281, %parallel_loop3A_282] {strides = array<i32>} : memref<16x512xf32, #tpu.memory_space<vmem>>, vector<16xf32>,
          %parallel_loop3A_284 = arith.constant 5.000000e-01 : f32
          %parallel_loop3A_285 = vector.broadcast %parallel_loop3A_284 : f32 to vector<16xf32>
          %parallel_loop3A_286 = arith.cmpf ogt, %parallel_loop3A_283, %parallel_loop3A_285 : vector<16xf32>
          %parallel_loop3A_287 = arith.constant 1.000000e+00 : f32
          %parallel_loop3A_288 = vector.broadcast %parallel_loop3A_287 : f32 to vector<16xf32>
          %parallel_loop3A_289 = arith.subf %parallel_loop3A_288, %parallel_loop3A_280 : vector<16xf32>
          %parallel_loop3A_290 = arith.select %parallel_loop3A_286, %parallel_loop3A_280, %parallel_loop3A_289 : vector<16xi1>, vector<16xf32>
          %parallel_loop3A_291 = vector.bitcast %parallel_loop3A_290 : vector<16xf32> to vector<16xi32>
          %parallel_loop3A_292 = arith.constant 23 : i32
          %parallel_loop3A_293 = vector.broadcast %parallel_loop3A_292 : i32 to vector<16xi32>
          %parallel_loop3A_294 = arith.shrsi %parallel_loop3A_291, %parallel_loop3A_293 : vector<16xi32>
          %parallel_loop3A_295 = arith.constant 8388607 : i32
          %parallel_loop3A_296 = vector.broadcast %parallel_loop3A_295 : i32 to vector<16xi32>
          %parallel_loop3A_297 = arith.andi %parallel_loop3A_291, %parallel_loop3A_296 : vector<16xi32>
          %parallel_loop3A_298 = arith.constant 1065353216 : i32
          %parallel_loop3A_299 = vector.broadcast %parallel_loop3A_298 : i32 to vector<16xi32>
          %parallel_loop3A_300 = arith.ori %parallel_loop3A_297, %parallel_loop3A_299 : vector<16xi32>
          %parallel_loop3A_301 = vector.bitcast %parallel_loop3A_300 : vector<16xi32> to vector<16xf32>
          %parallel_loop3A_302 = arith.addi %parallel_loop3A_271, %parallel_loop3A_294 : vector<16xi32>
          %parallel_loop3A_303 = arith.mulf %parallel_loop3A_270, %parallel_loop3A_301 : vector<16xf32>
          %parallel_loop3A_304 = arith.constant 127 : i32
          %parallel_loop3A_305 = vector.broadcast %parallel_loop3A_304 : i32 to vector<16xi32>
          %parallel_loop3A_306 = arith.select %parallel_loop3A_286, %parallel_loop3A_305, %parallel_loop3A_294 : vector<16xi1>, vector<16xi32>
          %parallel_loop3A_307 = arith.addi %parallel_loop3A_273, %parallel_loop3A_306 : vector<16xi32>
          %parallel_loop3A_308 = arith.constant 1.000000e+00 : f32
          %parallel_loop3A_309 = vector.broadcast %parallel_loop3A_308 : f32 to vector<16xf32>
          %parallel_loop3A_310 = arith.select %parallel_loop3A_286, %parallel_loop3A_309, %parallel_loop3A_301 : vector<16xi1>, vector<16xf32>
          %parallel_loop3A_311 = arith.mulf %parallel_loop3A_272, %parallel_loop3A_310 : vector<16xf32>
          %parallel_loop3A_312 = arith.constant 1.000000e+00 : f32
          %parallel_loop3A_313 = vector.broadcast %parallel_loop3A_312 : f32 to vector<16xf32>
          %parallel_loop3A_314 = arith.addf %parallel_loop3A_280, %parallel_loop3A_313 : vector<16xf32>
          %parallel_loop3A_315 = vector.bitcast %parallel_loop3A_314 : vector<16xf32> to vector<16xi32>
          %parallel_loop3A_316 = arith.constant 19 : i32
          %parallel_loop3A_317 = vector.broadcast %parallel_loop3A_316 : i32 to vector<16xi32>
          %parallel_loop3A_318 = arith.shrsi %parallel_loop3A_315, %parallel_loop3A_317 : vector<16xi32>
          %parallel_loop3A_319 = arith.constant 15 : i32
          %parallel_loop3A_320 = vector.broadcast %parallel_loop3A_319 : i32 to vector<16xi32>
          %parallel_loop3A_321 = arith.andi %parallel_loop3A_318, %parallel_loop3A_320 : vector<16xi32>
          %parallel_loop3A_322 = arith.constant 12 : i32
          %parallel_loop3A_323 = vector.broadcast %parallel_loop3A_322 : i32 to vector<16xi32>
          %parallel_loop3A_324 = arith.shrsi %parallel_loop3A_315, %parallel_loop3A_323 : vector<16xi32>
          %parallel_loop3A_325 = arith.constant 127 : i32
          %parallel_loop3A_326 = vector.broadcast %parallel_loop3A_325 : i32 to vector<16xi32>
          %parallel_loop3A_327 = arith.andi %parallel_loop3A_324, %parallel_loop3A_326 : vector<16xi32>
          %parallel_loop3A_328 = arith.constant dense<true> : vector<16xi1>
          %parallel_loop3A_329 = arith.xori %parallel_loop3A_286, %parallel_loop3A_328 : vector<16xi1>
          tpu.vector_store_idx %arg14[%parallel_loop3A_321, %parallel_loop3A_327], %broadcast_in_dim3A_51 masked %parallel_loop3A_329 {add = true} : memref<16x128xf32, #tpu.memory_space<vmem>>[vector<16xi32>, vector<16xi32>], vector<16xf32>, vector<16xi1>
          scf.yield %parallel_loop3A_303, %parallel_loop3A_302, %parallel_loop3A_311, %parallel_loop3A_307 : vector<16xf32>, vector<16xi32>, vector<16xf32>, vector<16xi32>
        } {sc.loop_unroll_factor = 4 : i64, sc.parallel_access}
        %bitcast3A = vector.bitcast %parallel_loop3A_241#0 : vector<16xf32> to vector<16xi32>
        %shift_right_arithmetic3A = arith.constant 23 : i32
        %shift_right_arithmetic3A_242 = vector.broadcast %shift_right_arithmetic3A : i32 to vector<16xi32>
        %shift_right_arithmetic3A_243 = arith.shrsi %bitcast3A, %shift_right_arithmetic3A_242 : vector<16xi32>
        %sub3A_244 = arith.constant 127 : i32
        %sub3A_245 = vector.broadcast %sub3A_244 : i32 to vector<16xi32>
        %sub3A_246 = arith.subi %shift_right_arithmetic3A_243, %sub3A_245 : vector<16xi32>
        %add3A_247 = arith.addi %parallel_loop3A_241#1, %sub3A_246 : vector<16xi32>
        %and3A_248 = arith.constant 8388607 : i32
        %and3A_249 = vector.broadcast %and3A_248 : i32 to vector<16xi32>
        %and3A_250 = arith.andi %bitcast3A, %and3A_249 : vector<16xi32>
        %or3A = arith.constant 1065353216 : i32
        %or3A_251 = vector.broadcast %or3A : i32 to vector<16xi32>
        %or3A_252 = arith.ori %and3A_250, %or3A_251 : vector<16xi32>
        %bitcast3A_253 = vector.bitcast %or3A_252 : vector<16xi32> to vector<16xf32>
        %bitcast3A_254 = vector.bitcast %parallel_loop3A_241#2 : vector<16xf32> to vector<16xi32>
        %shift_right_arithmetic3A_255 = arith.constant 23 : i32
        %shift_right_arithmetic3A_256 = vector.broadcast %shift_right_arithmetic3A_255 : i32 to vector<16xi32>
        %shift_right_arithmetic3A_257 = arith.shrsi %bitcast3A_254, %shift_right_arithmetic3A_256 : vector<16xi32>
        %sub3A_258 = arith.constant 127 : i32
        %sub3A_259 = vector.broadcast %sub3A_258 : i32 to vector<16xi32>
        %sub3A_260 = arith.subi %shift_right_arithmetic3A_257, %sub3A_259 : vector<16xi32>
        %add3A_261 = arith.addi %parallel_loop3A_241#3, %sub3A_260 : vector<16xi32>
        %and3A_262 = arith.constant 8388607 : i32
        %and3A_263 = vector.broadcast %and3A_262 : i32 to vector<16xi32>
        %and3A_264 = arith.andi %bitcast3A_254, %and3A_263 : vector<16xi32>
        %or3A_265 = arith.constant 1065353216 : i32
        %or3A_266 = vector.broadcast %or3A_265 : i32 to vector<16xi32>
        %or3A_267 = arith.ori %and3A_264, %or3A_266 : vector<16xi32>
        %bitcast3A_268 = vector.bitcast %or3A_267 : vector<16xi32> to vector<16xf32>
        scf.yield %bitcast3A_253, %add3A_247, %bitcast3A_268, %add3A_261 : vector<16xf32>, vector<16xi32>, vector<16xf32>, vector<16xi32>
      }
      %scan3A_200 = arith.constant 8 : i32
      %mul3A_201 = arith.constant 4 : i32
      %mul3A_202 = arith.muli %scan3A_105, %mul3A_201 : i32
      %add3A_203 = arith.constant 3 : i32
      %add3A_204 = arith.addi %mul3A_202, %add3A_203 : i32
      %add3A_205 = arith.constant 4 : i32
      %add3A_206 = arith.addi %add3A_204, %add3A_205 : i32
      %sub3A_207 = arith.constant 1 : i32
      %sub3A_208 = arith.subi %add3A_206, %sub3A_207 : i32
      %lt3A_209 = arith.constant 16 : i32
      %lt3A_210 = arith.cmpi slt, %sub3A_208, %lt3A_209 : i32
      %convert_element_type3A_211 = arith.extui %lt3A_210 : i1 to i32
      %cond3A_212 = arith.constant 0 : i32
      %cond3A_213 = arith.cmpi ne, %convert_element_type3A_211, %cond3A_212 : i32
      scf.if %cond3A_213 {
        %add3A_232 = arith.constant 4 : i32
        %add3A_233 = arith.addi %add3A_204, %add3A_232 : i32
        %sub3A_234 = arith.constant 1 : i32
        %sub3A_235 = arith.subi %add3A_233, %sub3A_234 : i32
        %mul3A_236 = arith.constant 16 : i32
        %mul3A_237 = arith.muli %sub3A_235, %mul3A_236 : i32
        %add3A_238 = arith.addi %add3A_37, %mul3A_237 : i32
        %add3A_239 = arith.addi %add3A_42, %mul3A_237 : i32
        %dma_start3A_240 = arith.constant 0 : i32
        %dma_start3A_241 = tpu.memref_slice %arg2[%add3A_238, %dma_start3A_240] : memref<24576x512xf32, #tpu.memory_space<hbm>> -> memref<16x512xf32, #tpu.memory_space<hbm>>
        %dma_start3A_242 = arith.constant 0 : i32
        %dma_start3A_243 = tpu.memref_slice %arg2[%add3A_238, %dma_start3A_242] : memref<24576x512xf32, #tpu.memory_space<hbm>> -> memref<16x512xf32, #tpu.memory_space<hbm>>
        tpu.enqueue_dma source(%dma_start3A_243 : memref<16x512xf32, #tpu.memory_space<hbm>>) target(%arg10 : memref<16x512xf32, #tpu.memory_space<vmem>>) target_semaphore(%arg18 : memref<!tpu.dma_semaphore, #tpu.memory_space<semaphore_mem>>)
        %dma_start3A_244 = arith.constant 0 : i32
        %dma_start3A_245 = tpu.memref_slice %arg3[%add3A_239, %dma_start3A_244] : memref<8192x512xf32, #tpu.memory_space<hbm>> -> memref<16x512xf32, #tpu.memory_space<hbm>>
        %dma_start3A_246 = arith.constant 0 : i32
        %dma_start3A_247 = tpu.memref_slice %arg3[%add3A_239, %dma_start3A_246] : memref<8192x512xf32, #tpu.memory_space<hbm>> -> memref<16x512xf32, #tpu.memory_space<hbm>>
        tpu.enqueue_dma source(%dma_start3A_247 : memref<16x512xf32, #tpu.memory_space<hbm>>) target(%arg11 : memref<16x512xf32, #tpu.memory_space<vmem>>) target_semaphore(%arg18 : memref<!tpu.dma_semaphore, #tpu.memory_space<semaphore_mem>>)
      } else {
      }
      %mul3A_214 = arith.constant 16 : i32
      %mul3A_215 = arith.muli %add3A_204, %mul3A_214 : i32
      %add3A_216 = arith.addi %add3A_37, %mul3A_215 : i32
      %add3A_217 = arith.addi %add3A_42, %mul3A_215 : i32
      %dma_wait3A_218 = arith.constant 0 : i32
      %dma_wait3A_219 = tpu.memref_slice %arg2[%add3A_216, %dma_wait3A_218] : memref<24576x512xf32, #tpu.memory_space<hbm>> -> memref<16x512xf32, #tpu.memory_space<hbm>>
      %dma_wait3A_220 = arith.constant 0 : i32
      %dma_wait3A_221 = tpu.memref_slice %arg2[%add3A_216, %dma_wait3A_220] : memref<24576x512xf32, #tpu.memory_space<hbm>> -> memref<16x512xf32, #tpu.memory_space<hbm>>
      tpu.wait_dma2 semaphore(%arg19 : memref<!tpu.dma_semaphore, #tpu.memory_space<semaphore_mem>>) src(%dma_wait3A_221 : memref<16x512xf32, #tpu.memory_space<hbm>>) dst(%arg12 : memref<16x512xf32, #tpu.memory_space<vmem>>)
      %dma_wait3A_222 = arith.constant 0 : i32
      %dma_wait3A_223 = tpu.memref_slice %arg3[%add3A_217, %dma_wait3A_222] : memref<8192x512xf32, #tpu.memory_space<hbm>> -> memref<16x512xf32, #tpu.memory_space<hbm>>
      %dma_wait3A_224 = arith.constant 0 : i32
      %dma_wait3A_225 = tpu.memref_slice %arg3[%add3A_217, %dma_wait3A_224] : memref<8192x512xf32, #tpu.memory_space<hbm>> -> memref<16x512xf32, #tpu.memory_space<hbm>>
      tpu.wait_dma2 semaphore(%arg19 : memref<!tpu.dma_semaphore, #tpu.memory_space<semaphore_mem>>) src(%dma_wait3A_225 : memref<16x512xf32, #tpu.memory_space<hbm>>) dst(%arg13 : memref<16x512xf32, #tpu.memory_space<vmem>>)
      %scan3A_226 = arith.constant 0 : i32
      %scan3A_227 = arith.constant 8 : i32
      %scan3A_228 = arith.addi %scan3A_226, %scan3A_227 : i32
      %scan3A_229 = arith.constant 1 : i32
      %scan3A_230:4 = scf.for %scan3A_232 = %scan3A_226 to %scan3A_228 step %scan3A_229 iter_args(%scan3A_233 = %scan3A_199#0, %scan3A_234 = %scan3A_199#1, %scan3A_235 = %scan3A_199#2, %scan3A_236 = %scan3A_199#3) -> (vector<16xf32>, vector<16xi32>, vector<16xf32>, vector<16xi32>)  : i32 {
        %mul3A_237 = arith.constant 1024 : i32
        %mul3A_238 = arith.muli %scan3A_232, %mul3A_237 : i32
        %add3A_239 = arith.constant 1024 : i32
        %add3A_240 = arith.addi %mul3A_238, %add3A_239 : i32
        %parallel_loop3A = arith.constant 16 : i32
        %parallel_loop3A_241:4 = scf.for %parallel_loop3A_269 = %mul3A_238 to %add3A_240 step %parallel_loop3A iter_args(%parallel_loop3A_270 = %scan3A_233, %parallel_loop3A_271 = %scan3A_234, %parallel_loop3A_272 = %scan3A_235, %parallel_loop3A_273 = %scan3A_236) -> (vector<16xf32>, vector<16xi32>, vector<16xf32>, vector<16xi32>)  : i32 {
          %parallel_loop3A_274 = arith.constant 9 : i32
          %parallel_loop3A_275 = arith.shrsi %parallel_loop3A_269, %parallel_loop3A_274 : i32
          %parallel_loop3A_276 = arith.constant 511 : i32
          %parallel_loop3A_277 = arith.andi %parallel_loop3A_269, %parallel_loop3A_276 : i32
          %parallel_loop3A_278 = arith.index_cast %parallel_loop3A_275 : i32 to index
          %parallel_loop3A_279 = arith.index_cast %parallel_loop3A_277 : i32 to index
          %parallel_loop3A_280 = tpu.vector_load %arg12[%parallel_loop3A_278, %parallel_loop3A_279] {strides = array<i32>} : memref<16x512xf32, #tpu.memory_space<vmem>>, vector<16xf32>,
          %parallel_loop3A_281 = arith.index_cast %parallel_loop3A_275 : i32 to index
          %parallel_loop3A_282 = arith.index_cast %parallel_loop3A_277 : i32 to index
          %parallel_loop3A_283 = tpu.vector_load %arg13[%parallel_loop3A_281, %parallel_loop3A_282] {strides = array<i32>} : memref<16x512xf32, #tpu.memory_space<vmem>>, vector<16xf32>,
          %parallel_loop3A_284 = arith.constant 5.000000e-01 : f32
          %parallel_loop3A_285 = vector.broadcast %parallel_loop3A_284 : f32 to vector<16xf32>
          %parallel_loop3A_286 = arith.cmpf ogt, %parallel_loop3A_283, %parallel_loop3A_285 : vector<16xf32>
          %parallel_loop3A_287 = arith.constant 1.000000e+00 : f32
          %parallel_loop3A_288 = vector.broadcast %parallel_loop3A_287 : f32 to vector<16xf32>
          %parallel_loop3A_289 = arith.subf %parallel_loop3A_288, %parallel_loop3A_280 : vector<16xf32>
          %parallel_loop3A_290 = arith.select %parallel_loop3A_286, %parallel_loop3A_280, %parallel_loop3A_289 : vector<16xi1>, vector<16xf32>
          %parallel_loop3A_291 = vector.bitcast %parallel_loop3A_290 : vector<16xf32> to vector<16xi32>
          %parallel_loop3A_292 = arith.constant 23 : i32
          %parallel_loop3A_293 = vector.broadcast %parallel_loop3A_292 : i32 to vector<16xi32>
          %parallel_loop3A_294 = arith.shrsi %parallel_loop3A_291, %parallel_loop3A_293 : vector<16xi32>
          %parallel_loop3A_295 = arith.constant 8388607 : i32
          %parallel_loop3A_296 = vector.broadcast %parallel_loop3A_295 : i32 to vector<16xi32>
          %parallel_loop3A_297 = arith.andi %parallel_loop3A_291, %parallel_loop3A_296 : vector<16xi32>
          %parallel_loop3A_298 = arith.constant 1065353216 : i32
          %parallel_loop3A_299 = vector.broadcast %parallel_loop3A_298 : i32 to vector<16xi32>
          %parallel_loop3A_300 = arith.ori %parallel_loop3A_297, %parallel_loop3A_299 : vector<16xi32>
          %parallel_loop3A_301 = vector.bitcast %parallel_loop3A_300 : vector<16xi32> to vector<16xf32>
          %parallel_loop3A_302 = arith.addi %parallel_loop3A_271, %parallel_loop3A_294 : vector<16xi32>
          %parallel_loop3A_303 = arith.mulf %parallel_loop3A_270, %parallel_loop3A_301 : vector<16xf32>
          %parallel_loop3A_304 = arith.constant 127 : i32
          %parallel_loop3A_305 = vector.broadcast %parallel_loop3A_304 : i32 to vector<16xi32>
          %parallel_loop3A_306 = arith.select %parallel_loop3A_286, %parallel_loop3A_305, %parallel_loop3A_294 : vector<16xi1>, vector<16xi32>
          %parallel_loop3A_307 = arith.addi %parallel_loop3A_273, %parallel_loop3A_306 : vector<16xi32>
          %parallel_loop3A_308 = arith.constant 1.000000e+00 : f32
          %parallel_loop3A_309 = vector.broadcast %parallel_loop3A_308 : f32 to vector<16xf32>
          %parallel_loop3A_310 = arith.select %parallel_loop3A_286, %parallel_loop3A_309, %parallel_loop3A_301 : vector<16xi1>, vector<16xf32>
          %parallel_loop3A_311 = arith.mulf %parallel_loop3A_272, %parallel_loop3A_310 : vector<16xf32>
          %parallel_loop3A_312 = arith.constant 1.000000e+00 : f32
          %parallel_loop3A_313 = vector.broadcast %parallel_loop3A_312 : f32 to vector<16xf32>
          %parallel_loop3A_314 = arith.addf %parallel_loop3A_280, %parallel_loop3A_313 : vector<16xf32>
          %parallel_loop3A_315 = vector.bitcast %parallel_loop3A_314 : vector<16xf32> to vector<16xi32>
          %parallel_loop3A_316 = arith.constant 19 : i32
          %parallel_loop3A_317 = vector.broadcast %parallel_loop3A_316 : i32 to vector<16xi32>
          %parallel_loop3A_318 = arith.shrsi %parallel_loop3A_315, %parallel_loop3A_317 : vector<16xi32>
          %parallel_loop3A_319 = arith.constant 15 : i32
          %parallel_loop3A_320 = vector.broadcast %parallel_loop3A_319 : i32 to vector<16xi32>
          %parallel_loop3A_321 = arith.andi %parallel_loop3A_318, %parallel_loop3A_320 : vector<16xi32>
          %parallel_loop3A_322 = arith.constant 12 : i32
          %parallel_loop3A_323 = vector.broadcast %parallel_loop3A_322 : i32 to vector<16xi32>
          %parallel_loop3A_324 = arith.shrsi %parallel_loop3A_315, %parallel_loop3A_323 : vector<16xi32>
          %parallel_loop3A_325 = arith.constant 127 : i32
          %parallel_loop3A_326 = vector.broadcast %parallel_loop3A_325 : i32 to vector<16xi32>
          %parallel_loop3A_327 = arith.andi %parallel_loop3A_324, %parallel_loop3A_326 : vector<16xi32>
          %parallel_loop3A_328 = arith.constant dense<true> : vector<16xi1>
          %parallel_loop3A_329 = arith.xori %parallel_loop3A_286, %parallel_loop3A_328 : vector<16xi1>
          tpu.vector_store_idx %arg14[%parallel_loop3A_321, %parallel_loop3A_327], %broadcast_in_dim3A_51 masked %parallel_loop3A_329 {add = true} : memref<16x128xf32, #tpu.memory_space<vmem>>[vector<16xi32>, vector<16xi32>], vector<16xf32>, vector<16xi1>
          scf.yield %parallel_loop3A_303, %parallel_loop3A_302, %parallel_loop3A_311, %parallel_loop3A_307 : vector<16xf32>, vector<16xi32>, vector<16xf32>, vector<16xi32>
        } {sc.loop_unroll_factor = 4 : i64, sc.parallel_access}
        %bitcast3A = vector.bitcast %parallel_loop3A_241#0 : vector<16xf32> to vector<16xi32>
        %shift_right_arithmetic3A = arith.constant 23 : i32
        %shift_right_arithmetic3A_242 = vector.broadcast %shift_right_arithmetic3A : i32 to vector<16xi32>
        %shift_right_arithmetic3A_243 = arith.shrsi %bitcast3A, %shift_right_arithmetic3A_242 : vector<16xi32>
        %sub3A_244 = arith.constant 127 : i32
        %sub3A_245 = vector.broadcast %sub3A_244 : i32 to vector<16xi32>
        %sub3A_246 = arith.subi %shift_right_arithmetic3A_243, %sub3A_245 : vector<16xi32>
        %add3A_247 = arith.addi %parallel_loop3A_241#1, %sub3A_246 : vector<16xi32>
        %and3A_248 = arith.constant 8388607 : i32
        %and3A_249 = vector.broadcast %and3A_248 : i32 to vector<16xi32>
        %and3A_250 = arith.andi %bitcast3A, %and3A_249 : vector<16xi32>
        %or3A = arith.constant 1065353216 : i32
        %or3A_251 = vector.broadcast %or3A : i32 to vector<16xi32>
        %or3A_252 = arith.ori %and3A_250, %or3A_251 : vector<16xi32>
        %bitcast3A_253 = vector.bitcast %or3A_252 : vector<16xi32> to vector<16xf32>
        %bitcast3A_254 = vector.bitcast %parallel_loop3A_241#2 : vector<16xf32> to vector<16xi32>
        %shift_right_arithmetic3A_255 = arith.constant 23 : i32
        %shift_right_arithmetic3A_256 = vector.broadcast %shift_right_arithmetic3A_255 : i32 to vector<16xi32>
        %shift_right_arithmetic3A_257 = arith.shrsi %bitcast3A_254, %shift_right_arithmetic3A_256 : vector<16xi32>
        %sub3A_258 = arith.constant 127 : i32
        %sub3A_259 = vector.broadcast %sub3A_258 : i32 to vector<16xi32>
        %sub3A_260 = arith.subi %shift_right_arithmetic3A_257, %sub3A_259 : vector<16xi32>
        %add3A_261 = arith.addi %parallel_loop3A_241#3, %sub3A_260 : vector<16xi32>
        %and3A_262 = arith.constant 8388607 : i32
        %and3A_263 = vector.broadcast %and3A_262 : i32 to vector<16xi32>
        %and3A_264 = arith.andi %bitcast3A_254, %and3A_263 : vector<16xi32>
        %or3A_265 = arith.constant 1065353216 : i32
        %or3A_266 = vector.broadcast %or3A_265 : i32 to vector<16xi32>
        %or3A_267 = arith.ori %and3A_264, %or3A_266 : vector<16xi32>
        %bitcast3A_268 = vector.bitcast %or3A_267 : vector<16xi32> to vector<16xf32>
        scf.yield %bitcast3A_253, %add3A_247, %bitcast3A_268, %add3A_261 : vector<16xf32>, vector<16xi32>, vector<16xf32>, vector<16xi32>
      }
      %scan3A_231 = arith.constant 8 : i32
      scf.yield %scan3A_230#0, %scan3A_230#1, %scan3A_230#2, %scan3A_230#3 : vector<16xf32>, vector<16xi32>, vector<16xf32>, vector<16xi32>
    }
    %scan3A_96 = arith.constant 4 : i32
    %convert_element_type3A = arith.sitofp %scan3A_95#1 : vector<16xi32> to vector<16xf32>
    %convert_element_type3A_97 = arith.sitofp %scan3A_95#3 : vector<16xi32> to vector<16xf32>
    %swap3A = arith.constant 0 : index
    %swap3A_98 = tpu.vector_load %arg15[%swap3A] {strides = array<i32>} : memref<64xf32, #tpu.memory_space<vmem>>, vector<16xf32>,
    tpu.vector_store %arg15[%swap3A], %scan3A_95#0 {strides = array<i32>} : memref<64xf32, #tpu.memory_space<vmem>>, vector<16xf32>,
    %swap3A_99 = arith.constant 16 : index
    %swap3A_100 = tpu.vector_load %arg15[%swap3A_99] {strides = array<i32>} : memref<64xf32, #tpu.memory_space<vmem>>, vector<16xf32>,
    tpu.vector_store %arg15[%swap3A_99], %convert_element_type3A {strides = array<i32>} : memref<64xf32, #tpu.memory_space<vmem>>, vector<16xf32>,
    %swap3A_101 = arith.constant 32 : index
    %swap3A_102 = tpu.vector_load %arg15[%swap3A_101] {strides = array<i32>} : memref<64xf32, #tpu.memory_space<vmem>>, vector<16xf32>,
    tpu.vector_store %arg15[%swap3A_101], %scan3A_95#2 {strides = array<i32>} : memref<64xf32, #tpu.memory_space<vmem>>, vector<16xf32>,
    %swap3A_103 = arith.constant 48 : index
    %swap3A_104 = tpu.vector_load %arg15[%swap3A_103] {strides = array<i32>} : memref<64xf32, #tpu.memory_space<vmem>>, vector<16xf32>,
    tpu.vector_store %arg15[%swap3A_103], %convert_element_type3A_97 {strides = array<i32>} : memref<64xf32, #tpu.memory_space<vmem>>, vector<16xf32>,
    "tpu.region"() ({
      %run_scoped3A = tpu.sem_alloc : memref<!tpu.dma_semaphore, #tpu.memory_space<semaphore_mem>>
      %dma_start3A_105 = arith.constant 0 : i32
      %dma_start3A_106 = arith.constant 0 : i32
      %dma_start3A_107 = tpu.memref_slice %arg4[%add3A, %dma_start3A_105, %dma_start3A_106] : memref<32x16x128xf32, #tpu.memory_space<hbm>> -> memref<1x16x128xf32, #tpu.memory_space<hbm>>
      %dma_start3A_108 = tpu.memref_squeeze %dma_start3A_107 : memref<1x16x128xf32, #tpu.memory_space<hbm>> -> memref<16x128xf32, #tpu.memory_space<hbm>>
      %dma_start3A_109 = arith.constant 0 : i32
      %dma_start3A_110 = arith.constant 0 : i32
      %dma_start3A_111 = tpu.memref_slice %arg4[%add3A, %dma_start3A_109, %dma_start3A_110] : memref<32x16x128xf32, #tpu.memory_space<hbm>> -> memref<1x16x128xf32, #tpu.memory_space<hbm>>
      %dma_start3A_112 = tpu.memref_squeeze %dma_start3A_111 : memref<1x16x128xf32, #tpu.memory_space<hbm>> -> memref<16x128xf32, #tpu.memory_space<hbm>>
      tpu.enqueue_dma source(%arg14 : memref<16x128xf32, #tpu.memory_space<vmem>>) target(%dma_start3A_112 : memref<16x128xf32, #tpu.memory_space<hbm>>) target_semaphore(%run_scoped3A : memref<!tpu.dma_semaphore, #tpu.memory_space<semaphore_mem>>)
      %dma_wait3A = arith.constant 0 : i32
      %dma_wait3A_113 = arith.constant 0 : i32
      %dma_wait3A_114 = tpu.memref_slice %arg4[%add3A, %dma_wait3A, %dma_wait3A_113] : memref<32x16x128xf32, #tpu.memory_space<hbm>> -> memref<1x16x128xf32, #tpu.memory_space<hbm>>
      %dma_wait3A_115 = tpu.memref_squeeze %dma_wait3A_114 : memref<1x16x128xf32, #tpu.memory_space<hbm>> -> memref<16x128xf32, #tpu.memory_space<hbm>>
      %dma_wait3A_116 = arith.constant 0 : i32
      %dma_wait3A_117 = arith.constant 0 : i32
      %dma_wait3A_118 = tpu.memref_slice %arg4[%add3A, %dma_wait3A_116, %dma_wait3A_117] : memref<32x16x128xf32, #tpu.memory_space<hbm>> -> memref<1x16x128xf32, #tpu.memory_space<hbm>>
      %dma_wait3A_119 = tpu.memref_squeeze %dma_wait3A_118 : memref<1x16x128xf32, #tpu.memory_space<hbm>> -> memref<16x128xf32, #tpu.memory_space<hbm>>
      tpu.wait_dma2 semaphore(%run_scoped3A : memref<!tpu.dma_semaphore, #tpu.memory_space<semaphore_mem>>) src(%arg14 : memref<16x128xf32, #tpu.memory_space<vmem>>) dst(%dma_wait3A_119 : memref<16x128xf32, #tpu.memory_space<hbm>>)
      tpu.yield
    }) : () -> ()
    "tpu.region"() ({
      %run_scoped3A = tpu.sem_alloc : memref<!tpu.dma_semaphore, #tpu.memory_space<semaphore_mem>>
      %dma_start3A_105 = arith.constant 0 : i32
      %dma_start3A_106 = tpu.memref_slice %arg5[%add3A, %dma_start3A_105] : memref<32x64xf32, #tpu.memory_space<hbm>> -> memref<1x64xf32, #tpu.memory_space<hbm>>
      %dma_start3A_107 = tpu.memref_squeeze %dma_start3A_106 : memref<1x64xf32, #tpu.memory_space<hbm>> -> memref<64xf32, #tpu.memory_space<hbm>>
      %dma_start3A_108 = arith.constant 0 : i32
      %dma_start3A_109 = tpu.memref_slice %arg5[%add3A, %dma_start3A_108] : memref<32x64xf32, #tpu.memory_space<hbm>> -> memref<1x64xf32, #tpu.memory_space<hbm>>
      %dma_start3A_110 = tpu.memref_squeeze %dma_start3A_109 : memref<1x64xf32, #tpu.memory_space<hbm>> -> memref<64xf32, #tpu.memory_space<hbm>>
      tpu.enqueue_dma source(%arg15 : memref<64xf32, #tpu.memory_space<vmem>>) target(%dma_start3A_110 : memref<64xf32, #tpu.memory_space<hbm>>) target_semaphore(%run_scoped3A : memref<!tpu.dma_semaphore, #tpu.memory_space<semaphore_mem>>)
      %dma_wait3A = arith.constant 0 : i32
      %dma_wait3A_111 = tpu.memref_slice %arg5[%add3A, %dma_wait3A] : memref<32x64xf32, #tpu.memory_space<hbm>> -> memref<1x64xf32, #tpu.memory_space<hbm>>
      %dma_wait3A_112 = tpu.memref_squeeze %dma_wait3A_111 : memref<1x64xf32, #tpu.memory_space<hbm>> -> memref<64xf32, #tpu.memory_space<hbm>>
      %dma_wait3A_113 = arith.constant 0 : i32
      %dma_wait3A_114 = tpu.memref_slice %arg5[%add3A, %dma_wait3A_113] : memref<32x64xf32, #tpu.memory_space<hbm>> -> memref<1x64xf32, #tpu.memory_space<hbm>>
      %dma_wait3A_115 = tpu.memref_squeeze %dma_wait3A_114 : memref<1x64xf32, #tpu.memory_space<hbm>> -> memref<64xf32, #tpu.memory_space<hbm>>
      tpu.wait_dma2 semaphore(%run_scoped3A : memref<!tpu.dma_semaphore, #tpu.memory_space<semaphore_mem>>) src(%arg15 : memref<64xf32, #tpu.memory_space<vmem>>) dst(%dma_wait3A_115 : memref<64xf32, #tpu.memory_space<hbm>>)
      tpu.yield
    }) : () -> ()
    return
  }
}

module attributes {stable_mosaic.version = 14 : i64} {
  func.func @_tc_reduce_body(%arg0: i32, %arg1: memref<1x1x512x512xf32, #tpu.memory_space<vmem>>, %arg2: memref<1x1x512x512xf32, #tpu.memory_space<vmem>>, %arg3: memref<1x512x512xf32, #tpu.memory_space<vmem>>, %arg4: memref<1x512x512xf32, #tpu.memory_space<vmem>>, %arg5: memref<4xf32, #tpu.memory_space<smem>>) attributes {dimension_semantics = [#tpu.dimension_semantics<arbitrary>], iteration_bounds = array<i64: 16>, scalar_prefetch = 0 : i64, scratch_operands = 0 : i64, tpu.core_type = #tpu.core_type<tc>, window_params = [{transform_indices = @transform_0, window_bounds = array<i64: 1, 1, 512, 512>}, {transform_indices = @transform_1, window_bounds = array<i64: 1, 1, 512, 512>}, {transform_indices = @transform_2, window_bounds = array<i64: 1, 512, 512>}, {transform_indices = @transform_3, window_bounds = array<i64: 1, 512, 512>}, {transform_indices = @transform_4, window_bounds = array<i64: 4>}]} {
    %get3A = arith.constant 0 : index
    %get3A_0 = arith.constant 0 : index
    %get3A_1 = arith.constant 0 : index
    %get3A_2 = arith.constant 0 : index
    %get3A_3 = vector.load %arg1[%get3A, %get3A_0, %get3A_1, %get3A_2] : memref<1x1x512x512xf32, #tpu.memory_space<vmem>>, vector<1x1x512x512xf32>
    %get3A_4 = vector.shape_cast %get3A_3 : vector<1x1x512x512xf32> to vector<512x512xf32>
    %get3A_5 = arith.constant 0 : index
    %get3A_6 = arith.constant 0 : index
    %get3A_7 = arith.constant 0 : index
    %get3A_8 = arith.constant 0 : index
    %get3A_9 = vector.load %arg2[%get3A_5, %get3A_6, %get3A_7, %get3A_8] : memref<1x1x512x512xf32, #tpu.memory_space<vmem>>, vector<1x1x512x512xf32>
    %get3A_10 = vector.shape_cast %get3A_9 : vector<1x1x512x512xf32> to vector<512x512xf32>
    %get3A_11 = arith.constant 0 : index
    %get3A_12 = arith.constant 0 : index
    %get3A_13 = arith.constant 0 : index
    %get3A_14 = vector.load %arg3[%get3A_11, %get3A_12, %get3A_13] : memref<1x512x512xf32, #tpu.memory_space<vmem>>, vector<1x512x512xf32>
    %get3A_15 = vector.shape_cast %get3A_14 : vector<1x512x512xf32> to vector<512x512xf32>
    %get3A_16 = arith.constant 0 : index
    %get3A_17 = arith.constant 0 : index
    %get3A_18 = arith.constant 0 : index
    %get3A_19 = vector.load %arg4[%get3A_16, %get3A_17, %get3A_18] : memref<1x512x512xf32, #tpu.memory_space<vmem>>, vector<1x512x512xf32>
    %get3A_20 = vector.shape_cast %get3A_19 : vector<1x512x512xf32> to vector<512x512xf32>
    %sub3A = arith.subf %get3A_4, %get3A_15 : vector<512x512xf32>
    %abs3A = math.absf %sub3A : vector<512x512xf32>
    %reduce_sum3A = vector.shape_cast %abs3A : vector<512x512xf32> to vector<1x512x512xf32>
    %reduce_sum3A_21 = arith.constant dense<0.000000e+00> : vector<1xf32>
    %reduce_sum3A_22 = vector.multi_reduction <add>, %reduce_sum3A, %reduce_sum3A_21 [1, 2] : vector<1x512x512xf32> to vector<1xf32>
    %reduce_sum3A_23 = vector.shape_cast %reduce_sum3A_22 : vector<1xf32> to vector<1x1x1xf32>
    %reduce_sum3A_24 = vector.extract %reduce_sum3A_23[0, 0, 0] : f32 from vector<1x1x1xf32>
    %reduce_sum3A_25 = vector.shape_cast %get3A_10 : vector<512x512xf32> to vector<1x512x512xf32>
    %reduce_sum3A_26 = arith.constant dense<0.000000e+00> : vector<1xf32>
    %reduce_sum3A_27 = vector.multi_reduction <add>, %reduce_sum3A_25, %reduce_sum3A_26 [1, 2] : vector<1x512x512xf32> to vector<1xf32>
    %reduce_sum3A_28 = vector.shape_cast %reduce_sum3A_27 : vector<1xf32> to vector<1x1x1xf32>
    %reduce_sum3A_29 = vector.extract %reduce_sum3A_28[0, 0, 0] : f32 from vector<1x1x1xf32>
    %mul3A = arith.mulf %get3A_10, %get3A_20 : vector<512x512xf32>
    %reduce_sum3A_30 = vector.shape_cast %mul3A : vector<512x512xf32> to vector<1x512x512xf32>
    %reduce_sum3A_31 = arith.constant dense<0.000000e+00> : vector<1xf32>
    %reduce_sum3A_32 = vector.multi_reduction <add>, %reduce_sum3A_30, %reduce_sum3A_31 [1, 2] : vector<1x512x512xf32> to vector<1xf32>
    %reduce_sum3A_33 = vector.shape_cast %reduce_sum3A_32 : vector<1xf32> to vector<1x1x1xf32>
    %reduce_sum3A_34 = vector.extract %reduce_sum3A_33[0, 0, 0] : f32 from vector<1x1x1xf32>
    %reduce_sum3A_35 = vector.shape_cast %get3A_20 : vector<512x512xf32> to vector<1x512x512xf32>
    %reduce_sum3A_36 = arith.constant dense<0.000000e+00> : vector<1xf32>
    %reduce_sum3A_37 = vector.multi_reduction <add>, %reduce_sum3A_35, %reduce_sum3A_36 [1, 2] : vector<1x512x512xf32> to vector<1xf32>
    %reduce_sum3A_38 = vector.shape_cast %reduce_sum3A_37 : vector<1xf32> to vector<1x1x1xf32>
    %reduce_sum3A_39 = vector.extract %reduce_sum3A_38[0, 0, 0] : f32 from vector<1x1x1xf32>
    %eq3A = arith.constant 0 : i32
    %eq3A_40 = arith.cmpi eq, %arg0, %eq3A : i32
    %convert_element_type3A = arith.extui %eq3A_40 : i1 to i32
    %cond3A = arith.constant 0 : i32
    %cond3A_41 = arith.cmpi ne, %convert_element_type3A, %cond3A : i32
    scf.if %cond3A_41 {
      %swap3A_60 = arith.constant 0.000000e+00 : f32
      %swap3A_61 = arith.constant 0 : index
      %swap3A_62 = memref.load %arg5[%swap3A_61] : memref<4xf32, #tpu.memory_space<smem>>
      memref.store %swap3A_60, %arg5[%swap3A_61] : memref<4xf32, #tpu.memory_space<smem>>
      %swap3A_63 = arith.constant 0.000000e+00 : f32
      %swap3A_64 = arith.constant 1 : index
      %swap3A_65 = memref.load %arg5[%swap3A_64] : memref<4xf32, #tpu.memory_space<smem>>
      memref.store %swap3A_63, %arg5[%swap3A_64] : memref<4xf32, #tpu.memory_space<smem>>
      %swap3A_66 = arith.constant 0.000000e+00 : f32
      %swap3A_67 = arith.constant 2 : index
      %swap3A_68 = memref.load %arg5[%swap3A_67] : memref<4xf32, #tpu.memory_space<smem>>
      memref.store %swap3A_66, %arg5[%swap3A_67] : memref<4xf32, #tpu.memory_space<smem>>
      %swap3A_69 = arith.constant 0.000000e+00 : f32
      %swap3A_70 = arith.constant 3 : index
      %swap3A_71 = memref.load %arg5[%swap3A_70] : memref<4xf32, #tpu.memory_space<smem>>
      memref.store %swap3A_69, %arg5[%swap3A_70] : memref<4xf32, #tpu.memory_space<smem>>
    } else {
    }
    %get3A_42 = arith.constant 0 : index
    %get3A_43 = memref.load %arg5[%get3A_42] : memref<4xf32, #tpu.memory_space<smem>>
    %add3A = arith.addf %get3A_43, %reduce_sum3A_24 : f32
    %swap3A = arith.constant 0 : index
    %swap3A_44 = memref.load %arg5[%swap3A] : memref<4xf32, #tpu.memory_space<smem>>
    memref.store %add3A, %arg5[%swap3A] : memref<4xf32, #tpu.memory_space<smem>>
    %get3A_45 = arith.constant 1 : index
    %get3A_46 = memref.load %arg5[%get3A_45] : memref<4xf32, #tpu.memory_space<smem>>
    %add3A_47 = arith.addf %get3A_46, %reduce_sum3A_29 : f32
    %swap3A_48 = arith.constant 1 : index
    %swap3A_49 = memref.load %arg5[%swap3A_48] : memref<4xf32, #tpu.memory_space<smem>>
    memref.store %add3A_47, %arg5[%swap3A_48] : memref<4xf32, #tpu.memory_space<smem>>
    %get3A_50 = arith.constant 2 : index
    %get3A_51 = memref.load %arg5[%get3A_50] : memref<4xf32, #tpu.memory_space<smem>>
    %add3A_52 = arith.addf %get3A_51, %reduce_sum3A_34 : f32
    %swap3A_53 = arith.constant 2 : index
    %swap3A_54 = memref.load %arg5[%swap3A_53] : memref<4xf32, #tpu.memory_space<smem>>
    memref.store %add3A_52, %arg5[%swap3A_53] : memref<4xf32, #tpu.memory_space<smem>>
    %get3A_55 = arith.constant 3 : index
    %get3A_56 = memref.load %arg5[%get3A_55] : memref<4xf32, #tpu.memory_space<smem>>
    %add3A_57 = arith.addf %get3A_56, %reduce_sum3A_39 : f32
    %swap3A_58 = arith.constant 3 : index
    %swap3A_59 = memref.load %arg5[%swap3A_58] : memref<4xf32, #tpu.memory_space<smem>>
    memref.store %add3A_57, %arg5[%swap3A_58] : memref<4xf32, #tpu.memory_space<smem>>
    return
  }
  func.func @transform_0(%arg0: i32) -> (i32, i32, i32, i32) {
    %c1_i32 = arith.constant 1 : i32
    %c0_i32 = arith.constant 0 : i32
    %c0_i32_0 = arith.constant 0 : i32
    %c0_i32_1 = arith.constant 0 : i32
    return %arg0, %c1_i32, %c0_i32, %c0_i32_0 : i32, i32, i32, i32
  }
  func.func @transform_1(%arg0: i32) -> (i32, i32, i32, i32) {
    %c2_i32 = arith.constant 2 : i32
    %c0_i32 = arith.constant 0 : i32
    %c0_i32_0 = arith.constant 0 : i32
    %c0_i32_1 = arith.constant 0 : i32
    return %arg0, %c2_i32, %c0_i32, %c0_i32_0 : i32, i32, i32, i32
  }
  func.func @transform_2(%arg0: i32) -> (i32, i32, i32) {
    %c0_i32 = arith.constant 0 : i32
    %c0_i32_0 = arith.constant 0 : i32
    %c0_i32_1 = arith.constant 0 : i32
    return %arg0, %c0_i32, %c0_i32_0 : i32, i32, i32
  }
  func.func @transform_3(%arg0: i32) -> (i32, i32, i32) {
    %c0_i32 = arith.constant 0 : i32
    %c0_i32_0 = arith.constant 0 : i32
    %c0_i32_1 = arith.constant 0 : i32
    return %arg0, %c0_i32, %c0_i32_0 : i32, i32, i32
  }
  func.func @transform_4(%arg0: i32) -> i32 {
    %c0_i32 = arith.constant 0 : i32
    %c0_i32_0 = arith.constant 0 : i32
    return %c0_i32 : i32
  }
}

module attributes {stable_mosaic.version = 14 : i64} {
  func.func @_combine_body(%arg0: memref<32x16x128xf32, #tpu.memory_space<vmem>>, %arg1: memref<32x64xf32, #tpu.memory_space<vmem>>, %arg2: memref<4xf32, #tpu.memory_space<smem>>, %arg3: memref<4xf32, #tpu.memory_space<smem>>) attributes {dimension_semantics = [], scalar_prefetch = 0 : i64, scratch_operands = 0 : i64, tpu.core_type = #tpu.core_type<tc>} {
    %get3A = arith.constant 0 : index
    %get3A_0 = arith.constant 0 : index
    %get3A_1 = arith.constant 0 : index
    %get3A_2 = vector.load %arg0[%get3A, %get3A_0, %get3A_1] : memref<32x16x128xf32, #tpu.memory_space<vmem>>, vector<32x16x128xf32>
    %reduce_sum3A = arith.constant dense<0.000000e+00> : vector<16x128xf32>
    %reduce_sum3A_3 = vector.multi_reduction <add>, %get3A_2, %reduce_sum3A [0] : vector<32x16x128xf32> to vector<16x128xf32>
    %iota3A = tpu.iota {dimensions = array<i32: 0>} : vector<16x128xi32>
    %mul3A = arith.constant 128 : i32
    %mul3A_4 = vector.broadcast %mul3A : i32 to vector<16x128xi32>
    %mul3A_5 = arith.muli %iota3A, %mul3A_4 : vector<16x128xi32>
    %iota3A_6 = tpu.iota {dimensions = array<i32: 1>} : vector<16x128xi32>
    %add3A = arith.addi %mul3A_5, %iota3A_6 : vector<16x128xi32>
    %convert_element_type3A = arith.sitofp %add3A : vector<16x128xi32> to vector<16x128xf32>
    %mul3A_7 = arith.constant 4.8828125E-4 : f32
    %mul3A_8 = vector.broadcast %mul3A_7 : f32 to vector<16x128xf32>
    %mul3A_9 = arith.mulf %convert_element_type3A, %mul3A_8 : vector<16x128xf32>
    %sub3A = arith.constant 1.000000e+00 : f32
    %sub3A_10 = vector.broadcast %sub3A : f32 to vector<16x128xf32>
    %sub3A_11 = arith.subf %sub3A_10, %mul3A_9 : vector<16x128xf32>
    %add3A_12 = arith.constant 1.000000e+00 : f32
    %add3A_13 = vector.broadcast %add3A_12 : f32 to vector<16x128xf32>
    %add3A_14 = arith.addf %convert_element_type3A, %add3A_13 : vector<16x128xf32>
    %mul3A_15 = arith.constant 4.8828125E-4 : f32
    %mul3A_16 = vector.broadcast %mul3A_15 : f32 to vector<16x128xf32>
    %mul3A_17 = arith.mulf %add3A_14, %mul3A_16 : vector<16x128xf32>
    %sub3A_18 = arith.constant 1.000000e+00 : f32
    %sub3A_19 = vector.broadcast %sub3A_18 : f32 to vector<16x128xf32>
    %sub3A_20 = arith.subf %sub3A_19, %mul3A_17 : vector<16x128xf32>
    %max3A = arith.constant 1.000000e-30 : f32
    %max3A_21 = vector.broadcast %max3A : f32 to vector<16x128xf32>
    %max3A_22 = arith.maximumf %sub3A_20, %max3A_21 : vector<16x128xf32>
    %log3A = math.log %sub3A_11 : vector<16x128xf32>
    %mul3A_23 = arith.mulf %sub3A_11, %log3A : vector<16x128xf32>
    %sub3A_24 = arith.subf %sub3A_11, %mul3A_23 : vector<16x128xf32>
    %log3A_25 = math.log %max3A_22 : vector<16x128xf32>
    %mul3A_26 = arith.mulf %max3A_22, %log3A_25 : vector<16x128xf32>
    %sub3A_27 = arith.subf %max3A_22, %mul3A_26 : vector<16x128xf32>
    %sub3A_28 = arith.subf %sub3A_24, %sub3A_27 : vector<16x128xf32>
    %mul3A_29 = arith.constant 2.048000e+03 : f32
    %mul3A_30 = vector.broadcast %mul3A_29 : f32 to vector<16x128xf32>
    %mul3A_31 = arith.mulf %sub3A_28, %mul3A_30 : vector<16x128xf32>
    %mul3A_32 = arith.mulf %reduce_sum3A_3, %mul3A_31 : vector<16x128xf32>
    %get3A_33 = arith.constant 0 : index
    %get3A_34 = arith.constant 0 : index
    %get3A_35 = vector.load %arg1[%get3A_33, %get3A_34] : memref<32x64xf32, #tpu.memory_space<vmem>>, vector<32x64xf32>
    %slice3A = vector.extract_strided_slice %get3A_35 {offsets = [0, 0], sizes = [32, 16], strides = [1, 1]} : vector<32x64xf32> to vector<32x16xf32>
    %slice3A_36 = vector.extract_strided_slice %get3A_35 {offsets = [0, 16], sizes = [32, 16], strides = [1, 1]} : vector<32x64xf32> to vector<32x16xf32>
    %slice3A_37 = vector.extract_strided_slice %get3A_35 {offsets = [0, 32], sizes = [32, 16], strides = [1, 1]} : vector<32x64xf32> to vector<32x16xf32>
    %slice3A_38 = vector.extract_strided_slice %get3A_35 {offsets = [0, 48], sizes = [32, 16], strides = [1, 1]} : vector<32x64xf32> to vector<32x16xf32>
    %log3A_39 = math.log %slice3A : vector<32x16xf32>
    %sub3A_40 = arith.constant 0x497E0000 : f32
    %sub3A_41 = vector.broadcast %sub3A_40 : f32 to vector<32x16xf32>
    %sub3A_42 = arith.subf %slice3A_36, %sub3A_41 : vector<32x16xf32>
    %mul3A_43 = arith.constant 0.693147182 : f32
    %mul3A_44 = vector.broadcast %mul3A_43 : f32 to vector<32x16xf32>
    %mul3A_45 = arith.mulf %mul3A_44, %sub3A_42 : vector<32x16xf32>
    %add3A_46 = arith.addf %log3A_39, %mul3A_45 : vector<32x16xf32>
    %reduce_sum3A_47 = vector.shape_cast %add3A_46 : vector<32x16xf32> to vector<1x32x16xf32>
    %reduce_sum3A_48 = arith.constant dense<0.000000e+00> : vector<1xf32>
    %reduce_sum3A_49 = vector.multi_reduction <add>, %reduce_sum3A_47, %reduce_sum3A_48 [1, 2] : vector<1x32x16xf32> to vector<1xf32>
    %reduce_sum3A_50 = vector.shape_cast %reduce_sum3A_49 : vector<1xf32> to vector<1x1x1xf32>
    %reduce_sum3A_51 = vector.extract %reduce_sum3A_50[0, 0, 0] : f32 from vector<1x1x1xf32>
    %neg3A = arith.constant 0.000000e+00 : f32
    %neg3A_52 = arith.subf %neg3A, %reduce_sum3A_51 : f32
    %log3A_53 = math.log %slice3A_37 : vector<32x16xf32>
    %sub3A_54 = arith.constant 0x497E0000 : f32
    %sub3A_55 = vector.broadcast %sub3A_54 : f32 to vector<32x16xf32>
    %sub3A_56 = arith.subf %slice3A_38, %sub3A_55 : vector<32x16xf32>
    %mul3A_57 = arith.constant 0.693147182 : f32
    %mul3A_58 = vector.broadcast %mul3A_57 : f32 to vector<32x16xf32>
    %mul3A_59 = arith.mulf %mul3A_58, %sub3A_56 : vector<32x16xf32>
    %add3A_60 = arith.addf %log3A_53, %mul3A_59 : vector<32x16xf32>
    %reduce_sum3A_61 = vector.shape_cast %add3A_60 : vector<32x16xf32> to vector<1x32x16xf32>
    %reduce_sum3A_62 = arith.constant dense<0.000000e+00> : vector<1xf32>
    %reduce_sum3A_63 = vector.multi_reduction <add>, %reduce_sum3A_61, %reduce_sum3A_62 [1, 2] : vector<1x32x16xf32> to vector<1xf32>
    %reduce_sum3A_64 = vector.shape_cast %reduce_sum3A_63 : vector<1xf32> to vector<1x1x1xf32>
    %reduce_sum3A_65 = vector.extract %reduce_sum3A_64[0, 0, 0] : f32 from vector<1x1x1xf32>
    %neg3A_66 = arith.constant 0.000000e+00 : f32
    %neg3A_67 = arith.subf %neg3A_66, %reduce_sum3A_65 : f32
    %sub3A_68 = arith.subf %neg3A_52, %neg3A_67 : f32
    %get3A_69 = arith.constant 0 : index
    %get3A_70 = memref.load %arg2[%get3A_69] : memref<4xf32, #tpu.memory_space<smem>>
    %get3A_71 = arith.constant 1 : index
    %get3A_72 = memref.load %arg2[%get3A_71] : memref<4xf32, #tpu.memory_space<smem>>
    %get3A_73 = arith.constant 2 : index
    %get3A_74 = memref.load %arg2[%get3A_73] : memref<4xf32, #tpu.memory_space<smem>>
    %get3A_75 = arith.constant 3 : index
    %get3A_76 = memref.load %arg2[%get3A_75] : memref<4xf32, #tpu.memory_space<smem>>
    %sub3A_77 = arith.constant 0x4A800000 : f32
    %sub3A_78 = arith.subf %sub3A_77, %get3A_76 : f32
    %mul3A_79 = arith.constant 3.000000e+00 : f32
    %mul3A_80 = arith.mulf %get3A_76, %mul3A_79 : f32
    %floor3A = math.floor %mul3A_80 : f32
    %min3A = arith.minimumf %sub3A_78, %floor3A : f32
    %iota3A_81 = tpu.iota {dimensions = array<i32: 0>} : vector<128x128xi32>
    %iota3A_82 = tpu.iota {dimensions = array<i32: 1>} : vector<128x128xi32>
    %le3A = arith.cmpi sle, %iota3A_81, %iota3A_82 : vector<128x128xi32>
    %convert_element_type3A_83 = arith.extui %le3A : vector<128x128xi1> to vector<128x128xi32>
    %convert_element_type3A_84 = arith.sitofp %convert_element_type3A_83 : vector<128x128xi32> to vector<128x128xf32>
    %iota3A_85 = tpu.iota {dimensions = array<i32: 1>} : vector<16x16xi32>
    %iota3A_86 = tpu.iota {dimensions = array<i32: 0>} : vector<16x16xi32>
    %lt3A = arith.cmpi slt, %iota3A_85, %iota3A_86 : vector<16x16xi32>
    %convert_element_type3A_87 = arith.extui %lt3A : vector<16x16xi1> to vector<16x16xi32>
    %convert_element_type3A_88 = arith.sitofp %convert_element_type3A_87 : vector<16x16xi32> to vector<16x16xf32>
    %dot_general3A = arith.constant dense<0.000000e+00> : vector<16x128xf32>
    %dot_general3A_89 = tpu.matmul %reduce_sum3A_3, %convert_element_type3A_84, %dot_general3A {dimension_numbers = #tpu.dot_dimension_numbers<[1], [0], [0], [1], [0, 0, 1, 1], [], []>, transpose_lhs_hint = false} : vector<16x128xf32>, vector<128x128xf32>, vector<16x128xf32> -> vector<16x128xf32>
    %slice3A_90 = vector.extract_strided_slice %dot_general3A_89 {offsets = [0, 127], sizes = [16, 1], strides = [1, 1]} : vector<16x128xf32> to vector<16x1xf32>
    %dot_general3A_91 = arith.constant dense<0.000000e+00> : vector<16x1xf32>
    %dot_general3A_92 = tpu.matmul %convert_element_type3A_88, %slice3A_90, %dot_general3A_91 {dimension_numbers = #tpu.dot_dimension_numbers<[1], [0], [0], [1], [0, 0, 1, 1], [], []>, transpose_lhs_hint = false} : vector<16x16xf32>, vector<16x1xf32>, vector<16x1xf32> -> vector<16x1xf32>
    %add3A_93 = vector.broadcast %dot_general3A_92 : vector<16x1xf32> to vector<16x128xf32>
    %add3A_94 = arith.addf %dot_general3A_89, %add3A_93 : vector<16x128xf32>
    %iota3A_95 = tpu.iota {dimensions = array<i32: 0>} : vector<128x128xi32>
    %iota3A_96 = tpu.iota {dimensions = array<i32: 1>} : vector<128x128xi32>
    %le3A_97 = arith.cmpi sle, %iota3A_95, %iota3A_96 : vector<128x128xi32>
    %convert_element_type3A_98 = arith.extui %le3A_97 : vector<128x128xi1> to vector<128x128xi32>
    %convert_element_type3A_99 = arith.sitofp %convert_element_type3A_98 : vector<128x128xi32> to vector<128x128xf32>
    %iota3A_100 = tpu.iota {dimensions = array<i32: 1>} : vector<16x16xi32>
    %iota3A_101 = tpu.iota {dimensions = array<i32: 0>} : vector<16x16xi32>
    %lt3A_102 = arith.cmpi slt, %iota3A_100, %iota3A_101 : vector<16x16xi32>
    %convert_element_type3A_103 = arith.extui %lt3A_102 : vector<16x16xi1> to vector<16x16xi32>
    %convert_element_type3A_104 = arith.sitofp %convert_element_type3A_103 : vector<16x16xi32> to vector<16x16xf32>
    %dot_general3A_105 = arith.constant dense<0.000000e+00> : vector<16x128xf32>
    %dot_general3A_106 = tpu.matmul %mul3A_32, %convert_element_type3A_99, %dot_general3A_105 {dimension_numbers = #tpu.dot_dimension_numbers<[1], [0], [0], [1], [0, 0, 1, 1], [], []>, transpose_lhs_hint = false} : vector<16x128xf32>, vector<128x128xf32>, vector<16x128xf32> -> vector<16x128xf32>
    %slice3A_107 = vector.extract_strided_slice %dot_general3A_106 {offsets = [0, 127], sizes = [16, 1], strides = [1, 1]} : vector<16x128xf32> to vector<16x1xf32>
    %dot_general3A_108 = arith.constant dense<0.000000e+00> : vector<16x1xf32>
    %dot_general3A_109 = tpu.matmul %convert_element_type3A_104, %slice3A_107, %dot_general3A_108 {dimension_numbers = #tpu.dot_dimension_numbers<[1], [0], [0], [1], [0, 0, 1, 1], [], []>, transpose_lhs_hint = false} : vector<16x16xf32>, vector<16x1xf32>, vector<16x1xf32> -> vector<16x1xf32>
    %add3A_110 = vector.broadcast %dot_general3A_109 : vector<16x1xf32> to vector<16x128xf32>
    %add3A_111 = arith.addf %dot_general3A_106, %add3A_110 : vector<16x128xf32>
    %reduce_sum3A_112 = vector.shape_cast %reduce_sum3A_3 : vector<16x128xf32> to vector<1x16x128xf32>
    %reduce_sum3A_113 = arith.constant dense<0.000000e+00> : vector<1xf32>
    %reduce_sum3A_114 = vector.multi_reduction <add>, %reduce_sum3A_112, %reduce_sum3A_113 [1, 2] : vector<1x16x128xf32> to vector<1xf32>
    %reduce_sum3A_115 = vector.shape_cast %reduce_sum3A_114 : vector<1xf32> to vector<1x1x1xf32>
    %reduce_sum3A_116 = vector.extract %reduce_sum3A_115[0, 0, 0] : f32 from vector<1x1x1xf32>
    %reduce_sum3A_117 = vector.shape_cast %mul3A_32 : vector<16x128xf32> to vector<1x16x128xf32>
    %reduce_sum3A_118 = arith.constant dense<0.000000e+00> : vector<1xf32>
    %reduce_sum3A_119 = vector.multi_reduction <add>, %reduce_sum3A_117, %reduce_sum3A_118 [1, 2] : vector<1x16x128xf32> to vector<1xf32>
    %reduce_sum3A_120 = vector.shape_cast %reduce_sum3A_119 : vector<1xf32> to vector<1x1x1xf32>
    %reduce_sum3A_121 = vector.extract %reduce_sum3A_120[0, 0, 0] : f32 from vector<1x1x1xf32>
    %sub3A_122 = vector.broadcast %reduce_sum3A_116 : f32 to vector<16x128xf32>
    %sub3A_123 = arith.subf %sub3A_122, %add3A_94 : vector<16x128xf32>
    %add3A_124 = arith.addf %sub3A_123, %reduce_sum3A_3 : vector<16x128xf32>
    %sub3A_125 = vector.broadcast %reduce_sum3A_121 : f32 to vector<16x128xf32>
    %sub3A_126 = arith.subf %sub3A_125, %add3A_111 : vector<16x128xf32>
    %add3A_127 = arith.addf %sub3A_126, %mul3A_32 : vector<16x128xf32>
    %ge3A = vector.broadcast %min3A : f32 to vector<16x128xf32>
    %ge3A_128 = arith.cmpf oge, %add3A_124, %ge3A : vector<16x128xf32>
    %sub3A_129 = arith.subf %add3A_124, %reduce_sum3A_3 : vector<16x128xf32>
    %lt3A_130 = vector.broadcast %min3A : f32 to vector<16x128xf32>
    %lt3A_131 = arith.cmpf olt, %sub3A_129, %lt3A_130 : vector<16x128xf32>
    %and3A = arith.andi %ge3A_128, %lt3A_131 : vector<16x128xi1>
    %convert_element_type3A_132 = arith.extui %and3A : vector<16x128xi1> to vector<16x128xi32>
    %convert_element_type3A_133 = arith.sitofp %convert_element_type3A_132 : vector<16x128xi32> to vector<16x128xf32>
    %sub3A_134 = arith.subf %add3A_124, %reduce_sum3A_3 : vector<16x128xf32>
    %mul3A_135 = arith.mulf %convert_element_type3A_133, %sub3A_134 : vector<16x128xf32>
    %reduce_sum3A_136 = vector.shape_cast %mul3A_135 : vector<16x128xf32> to vector<1x16x128xf32>
    %reduce_sum3A_137 = arith.constant dense<0.000000e+00> : vector<1xf32>
    %reduce_sum3A_138 = vector.multi_reduction <add>, %reduce_sum3A_136, %reduce_sum3A_137 [1, 2] : vector<1x16x128xf32> to vector<1xf32>
    %reduce_sum3A_139 = vector.shape_cast %reduce_sum3A_138 : vector<1xf32> to vector<1x1x1xf32>
    %reduce_sum3A_140 = vector.extract %reduce_sum3A_139[0, 0, 0] : f32 from vector<1x1x1xf32>
    %sub3A_141 = arith.subf %add3A_127, %mul3A_32 : vector<16x128xf32>
    %mul3A_142 = arith.mulf %convert_element_type3A_133, %sub3A_141 : vector<16x128xf32>
    %reduce_sum3A_143 = vector.shape_cast %mul3A_142 : vector<16x128xf32> to vector<1x16x128xf32>
    %reduce_sum3A_144 = arith.constant dense<0.000000e+00> : vector<1xf32>
    %reduce_sum3A_145 = vector.multi_reduction <add>, %reduce_sum3A_143, %reduce_sum3A_144 [1, 2] : vector<1x16x128xf32> to vector<1xf32>
    %reduce_sum3A_146 = vector.shape_cast %reduce_sum3A_145 : vector<1xf32> to vector<1x1x1xf32>
    %reduce_sum3A_147 = vector.extract %reduce_sum3A_146[0, 0, 0] : f32 from vector<1x1x1xf32>
    %mul3A_148 = arith.mulf %convert_element_type3A_133, %reduce_sum3A_3 : vector<16x128xf32>
    %reduce_sum3A_149 = vector.shape_cast %mul3A_148 : vector<16x128xf32> to vector<1x16x128xf32>
    %reduce_sum3A_150 = arith.constant dense<0.000000e+00> : vector<1xf32>
    %reduce_sum3A_151 = vector.multi_reduction <add>, %reduce_sum3A_149, %reduce_sum3A_150 [1, 2] : vector<1x16x128xf32> to vector<1xf32>
    %reduce_sum3A_152 = vector.shape_cast %reduce_sum3A_151 : vector<1xf32> to vector<1x1x1xf32>
    %reduce_sum3A_153 = vector.extract %reduce_sum3A_152[0, 0, 0] : f32 from vector<1x1x1xf32>
    %mul3A_154 = arith.mulf %convert_element_type3A_133, %mul3A_32 : vector<16x128xf32>
    %reduce_sum3A_155 = vector.shape_cast %mul3A_154 : vector<16x128xf32> to vector<1x16x128xf32>
    %reduce_sum3A_156 = arith.constant dense<0.000000e+00> : vector<1xf32>
    %reduce_sum3A_157 = vector.multi_reduction <add>, %reduce_sum3A_155, %reduce_sum3A_156 [1, 2] : vector<1x16x128xf32> to vector<1xf32>
    %reduce_sum3A_158 = vector.shape_cast %reduce_sum3A_157 : vector<1xf32> to vector<1x1x1xf32>
    %reduce_sum3A_159 = vector.extract %reduce_sum3A_158[0, 0, 0] : f32 from vector<1x1x1xf32>
    %sub3A_160 = arith.subf %min3A, %reduce_sum3A_140 : f32
    %mul3A_161 = arith.mulf %sub3A_160, %reduce_sum3A_159 : f32
    %max3A_162 = arith.constant 1.000000e+00 : f32
    %max3A_163 = arith.maximumf %reduce_sum3A_153, %max3A_162 : f32
    %div3A = arith.divf %mul3A_161, %max3A_163 : f32
    %add3A_164 = arith.addf %reduce_sum3A_147, %div3A : f32
    %ge3A_165 = arith.cmpf oge, %min3A, %sub3A_78 : f32
    %select_n3A = arith.select %ge3A_165, %neg3A_67, %add3A_164 : f32
    %gt3A = arith.constant 0.000000e+00 : f32
    %gt3A_166 = arith.cmpf ogt, %get3A_76, %gt3A : f32
    %add3A_167 = arith.addf %sub3A_68, %select_n3A : f32
    %add3A_168 = arith.addf %get3A_76, %min3A : f32
    %add3A_169 = arith.constant 9.99999997E-7 : f32
    %add3A_170 = arith.addf %add3A_168, %add3A_169 : f32
    %div3A_171 = arith.divf %add3A_167, %add3A_170 : f32
    %jit3A = arith.constant 0.000000e+00 : f32
    %select_n3A_172 = arith.select %gt3A_166, %div3A_171, %jit3A : f32
    %div3A_173 = arith.constant 0x4A800000 : f32
    %div3A_174 = arith.divf %get3A_70, %div3A_173 : f32
    %mul3A_175 = arith.constant 2.000000e+00 : f32
    %mul3A_176 = arith.mulf %mul3A_175, %get3A_74 : f32
    %add3A_177 = arith.addf %get3A_72, %get3A_76 : f32
    %add3A_178 = arith.constant 9.99999997E-7 : f32
    %add3A_179 = arith.addf %add3A_177, %add3A_178 : f32
    %div3A_180 = arith.divf %mul3A_176, %add3A_179 : f32
    %sub3A_181 = arith.constant 1.000000e+00 : f32
    %sub3A_182 = arith.subf %sub3A_181, %div3A_180 : f32
    %mul3A_183 = arith.constant 1.000000e+00 : f32
    %mul3A_184 = arith.mulf %mul3A_183, %sub3A_182 : f32
    %add3A_185 = arith.addf %select_n3A_172, %mul3A_184 : f32
    %mul3A_186 = arith.constant 1.000000e+01 : f32
    %mul3A_187 = arith.mulf %mul3A_186, %div3A_174 : f32
    %add3A_188 = arith.addf %add3A_185, %mul3A_187 : f32
    %swap3A = arith.constant 0 : index
    %swap3A_189 = memref.load %arg3[%swap3A] : memref<4xf32, #tpu.memory_space<smem>>
    memref.store %add3A_188, %arg3[%swap3A] : memref<4xf32, #tpu.memory_space<smem>>
    %swap3A_190 = arith.constant 1 : index
    %swap3A_191 = memref.load %arg3[%swap3A_190] : memref<4xf32, #tpu.memory_space<smem>>
    memref.store %select_n3A_172, %arg3[%swap3A_190] : memref<4xf32, #tpu.memory_space<smem>>
    %swap3A_192 = arith.constant 2 : index
    %swap3A_193 = memref.load %arg3[%swap3A_192] : memref<4xf32, #tpu.memory_space<smem>>
    memref.store %div3A_174, %arg3[%swap3A_192] : memref<4xf32, #tpu.memory_space<smem>>
    %swap3A_194 = arith.constant 3 : index
    %swap3A_195 = memref.load %arg3[%swap3A_194] : memref<4xf32, #tpu.memory_space<smem>>
    memref.store %sub3A_182, %arg3[%swap3A_194] : memref<4xf32, #tpu.memory_space<smem>>
    return
  }
}

</mosaic_0001>

<sc_bundles>
// kernel: kernel.5.cloned.1.call-start
scs
__scs_entry_jumppad:
0x0: {  	(pc) =	sbr.rel $0x88, $3  }
0x1: {  	(tag) =	ssettag $0x0;
	lr =	simm.s32 $0x1  }
0x2: {  	[smem:$0x3F9E] =	sst lr;
	_ =	strace $0xD0000000  }
0x3: {  	_ = 	snop  }
0x4: {  	_ = 	snop  }
0x5: {  	_ = 	snop  }
0x6: {  	_ = 	snop  }
0x7: {  	_ = 	snop  }
__scs_overlays_trampoline_lowered:
0x8: {  	[smem:$0x3FAD] =	sst s0  }
0x9: {  	[smem:$0x3FAE] =	sst s1  }
0xa: {  	[smem:$0x3FAF] =	sst s2  }
0xb: {  	[smem:$0x3FB0] =	sst s3  }
0xc: {  	[smem:$0x3FB1] =	sst s4  }
0xd: {  	[smem:$0x3FB2] =	sst s5  }
0xe: {  	[smem:$0x3FB3] =	sst s6  }
0xf: {  	[smem:$0x3FB4] =	sst s7  }
0x10: {  	[smem:$0x3FB5] =	sst s8  }
0x11: {  	[smem:$0x3FB6] =	sst s9;
	s0 =	simm.s32 @!p0 $0x0  }
0x12: {  	s1 =	sld [smem:$0x3F9C];
	s0 =	simm.s32 @p0 $0x1  }
0x13: {  	[smem:$0x3FB7] =	sst s0;
	s0 =	simm.s32 @!p1 $0x0  }
0x14: {  	s2 =	sld [smem:$0x3F9B];
	s0 =	simm.s32 @p1 $0x1  }
0x15: {  	[smem:$0x3FB8] =	sst s0;
	s0 =	simm.s32 @!p2 $0x0  }
0x16: {  	s3 =	sld [smem:$0x3FDB];
	s0 =	simm.s32 @p2 $0x1  }
0x17: {  	s4 =	simm.s32 $0x1BF5;
	[smem:$0x3FBA] =	sst s0  }
0x18: {  	s0 =	sld [smem:$0x3F9D];
	_ =	swait.ge [sflag:s4], $0x0  }
0x19: {  	s7 =	sld [smem:$0x3F9E]  }
0x1a: {  	s8 =	sadd.s32 $0xFFFFE003, lr  }
0x1b: {  	s9 =	sadd.s32 $0xFFFFFEF7, lr;
	s5 =	simm.s32 $0xFFFFFFFF;
	p2 =	slt.u32 s8, $0xFFFFF086  }
0x1c: {  	p1 =	slt.u32 s9, $0xF7A;
	s5 =	simm.s32 @!p2 $0x0  }
0x1d: {  	s5 =	simm.s32 @p1 $0x1;
	p0 =	seq.s32 s7, s2  }
0x1e: {  	s7 =	smul.u32 @!p0 $0xF7A, s2;
	p2 =	seq.s32 @!p0 s5, $0x0  }
0x1f: {  	s9 =	smul.u32 $0xF7A, s1;
	s8 =	simm.s32 @!p0 $0x1BF5;
	p2 =	por !p2, p0  }
0x20: {  	[sflag:s8] =	ssyncset.s32 @!p0 $0xFFFFF086;
	s6 =	sadd.s32 @!p0 s3, s7;
	s7 =	simm.s32 @!p0 $0x108  }
0x21: {  	s3 =	sadd.s32 s3, s9;
	s6 =	sadd.s32 @!p0 $0x88, s6;
	s7 =	simm.s32 @p2 $0x1082  }
0x22: {  	[simem:s7], [sflag:s8] =	dma.local @!p0 [hbm:s6], $0xF7A  }
0x23: {  	s9 =	sor.u32 $0xD0000000, s2;
	s6 =	simm.s32 $0x108;
	_ =	swait.ge @!p0 [sflag:s8], $0x0  }
0x24: {  	s3 =	sadd.s32 $0x88, s3;
	s6 =	simm.s32 @!p1 $0x1082;
	[sflag:s4] =	ssyncset.s32 $0xFFFFF086  }
0x25: {  	[simem:s6], [sflag:s4] =	dma.local [hbm:s3], $0xF7A  }
0x26: {  	[smem:$0x3F9E] =	sst s1;
	(tag) =	ssettag s2;
	_ =	strace s9  }
0x27: {  	s1 =	sld [smem:$0x3FAE]  }
0x28: {  	s2 =	sld [smem:$0x3FAF]  }
0x29: {  	s4 =	sld [smem:$0x3FB1]  }
0x2a: {  	p0 =	seq.s32 s5, $0x0;
	s5 =	sld [smem:$0x3FB2]  }
0x2b: {  	s6 =	sld [smem:$0x3FB3]  }
0x2c: {  	s7 =	sld [smem:$0x3FB4]  }
0x2d: {  	s3 =	simm.s32 $0x108;
	s8 =	sld [smem:$0x3FB5]  }
0x2e: {  	s3 =	simm.s32 @!p0 $0x1082;
	s9 =	sld [smem:$0x3FB6]  }
0x2f: {  	lr =	sadd.s32 s0, s3;
	s0 =	sld [smem:$0x3FAD]  }
0x30: {  	s3 =	sld [smem:$0x3FB0]  }
0x31: {  	[smem:$0x3FB9] =	sst s10  }
0x32: {  	s10 =	sld [smem:$0x3FB7];
	_ =	sdelay $0x3  }
0x33: {  	p0 =	seq.s32 s10, $0x1;
	s10 =	sld [smem:$0x3FB9];
	_ =	sdelay $0x3  }
0x34: {  	[smem:$0x3FB9] =	sst s10  }
0x35: {  	s10 =	sld [smem:$0x3FB8];
	_ =	sdelay $0x3  }
0x36: {  	p1 =	seq.s32 s10, $0x1;
	s10 =	sld [smem:$0x3FB9];
	_ =	sdelay $0x3  }
0x37: {  	[smem:$0x3FB9] =	sst s10  }
0x38: {  	s10 =	sld [smem:$0x3FBA]  }
0x39: {  	_ = 	snop;
	(pc) =	sbr.ind lr, $3  }
0x3a: {  	_ = 	snop  }
0x3b: {  	_ = 	snop  }
0x3c: {  	p2 =	seq.s32 s10, $0x1;
	s10 =	sld [smem:$0x3FB9]  }
0x3d: {  	_ =	shalt  }
0x3e: {  	_ =	shalt  }
0x3f: {  	_ =	shalt  }
0x40: {  	_ =	shalt  }
0x41: {  	_ =	shalt  }
0x42: {  	_ =	shalt  }
0x43: {  	_ =	shalt  }
0x44: {  	_ =	shalt  }
0x45: {  	_ =	shalt  }
0x46: {  	_ =	shalt  }
0x47: {  	_ =	shalt  }
0x48: {  	_ =	shalt  }
0x49: {  	_ =	shalt  }
0x4a: {  	_ =	shalt  }
0x4b: {  	_ =	shalt  }
0x4c: {  	_ =	shalt  }
0x4d: {  	_ =	shalt  }
0x4e: {  	_ =	shalt  }
0x4f: {  	_ =	shalt  }
0x50: {  	_ =	shalt  }
0x51: {  	_ =	shalt  }
0x52: {  	_ =	shalt  }
0x53: {  	_ =	shalt  }
0x54: {  	_ =	shalt  }
0x55: {  	_ =	shalt  }
0x56: {  	_ =	shalt  }
0x57: {  	_ =	shalt  }
0x58: {  	_ =	shalt  }
0x59: {  	_ =	shalt  }
0x5a: {  	_ =	shalt  }
0x5b: {  	_ =	shalt  }
0x5c: {  	_ =	shalt  }
0x5d: {  	_ =	shalt  }
0x5e: {  	_ =	shalt  }
0x5f: {  	_ =	shalt  }
0x60: {  	_ =	shalt  }
0x61: {  	_ =	shalt  }
0x62: {  	_ =	shalt  }
0x63: {  	_ =	shalt  }
0x64: {  	_ =	shalt  }
0x65: {  	_ =	shalt  }
0x66: {  	_ =	shalt  }
0x67: {  	_ =	shalt  }
0x68: {  	_ =	shalt  }
0x69: {  	_ =	shalt  }
0x6a: {  	_ =	shalt  }
0x6b: {  	_ =	shalt  }
0x6c: {  	_ =	shalt  }
0x6d: {  	_ =	shalt  }
0x6e: {  	_ =	shalt  }
0x6f: {  	_ =	shalt  }
0x70: {  	_ =	shalt  }
0x71: {  	_ =	shalt  }
0x72: {  	_ =	shalt  }
0x73: {  	_ =	shalt  }
0x74: {  	_ =	shalt  }
0x75: {  	_ =	shalt  }
0x76: {  	_ =	shalt  }
0x77: {  	_ =	shalt  }
0x78: {  	_ =	shalt  }
0x79: {  	_ =	shalt  }
0x7a: {  	_ =	shalt  }
0x7b: {  	_ =	shalt  }
0x7c: {  	_ =	shalt  }
0x7d: {  	_ =	shalt  }
0x7e: {  	_ =	shalt  }
0x7f: {  	_ =	shalt  }
0x80: {  	_ =	shalt  }
0x81: {  	_ =	shalt  }
0x82: {  	_ =	shalt  }
0x83: {  	_ =	shalt  }
0x84: {  	_ =	shalt  }
0x85: {  	_ =	shalt  }
0x86: {  	_ =	shalt  }
0x87: {  	_ =	shalt  }
.Lfunc_end0:
.L_simem_size_0:
called_computation_lowered:
.L_overlay_start_0:
0x88: {  	s2 =	sld [smem:$0x3FD9]  }
0x89: {  	s3 =	sld [smem:$0x3FFE];
	_ =	sdelay $0x1  }
0x8a: {  	s1 =	srdreg.scid  }
0x8b: {  	s0 =	sand.u32 $0x1, s1  }
0x8c: {  	s17 =	sshll.u32 s0, $0xA;
	s2 =	sadd.s32 s3, s2  }
0x8d: {  	s2 =	sadd.s32 s2, s17  }
0x8e: {  	[smem:$0x3FC5] =	sst s2  }
0x8f: {  	_ = 	snop  }
0x90: {  	s2 =	sld [smem:$0x3FC9]  }
0x91: {  	s18 =	sld [smem:$0x3FC8];
	(tm) =	ssettm $0x1  }
0x92: {  	s4 =	sld [smem:$0x3FFB];
	_ =	sdelay $0x3  }
0x93: {  	_ =	strace s4  }
0x94: {  	s4 =	sld [smem:$0x3FFC];
	_ =	sdelay $0x3  }
0x95: {  	_ =	strace s4  }
0x96: {  	s4 =	sld [smem:$0x3FFD];
	_ =	sdelay $0x3  }
0x97: {  	_ =	strace s4  }
0x98: {  	_ =	strace $0x8FFFFFFF  }
0x99: {  	s19 =	sld [smem:$0x3FDB];
	_ =	sdelay $0x1  }
0x9a: {  	s5 =	simm.s32 $_scs_section_size  }
0x9b: {  	s6 =	simm.s32 $_size__tile_overlayer_lowered;
	s7 =	simm.s32 $_tile_overlayer_lowered  }
0x9c: {  	s22 =	simm.s32 $0x1BFF;
	s21 =	sshll.u32 s7, $0x1;
	s4 =	sadd.s32 s5, s19  }
0x9d: {  	s8 =	simm.s32 $0x0;
	s20 =	sshll.u32 s6, $0x1;
	s6 =	sadd.s32 s21, s4  }
0x9e: {  	[timem:s8], [sflag:s22] =	dma.local [hbm:s6], s20  }
0x9f: {  	_ =	swait.ge [sflag:s22], s20  }
0xa0: {  	s5 =	ssub.s32 $0x0, s20;
	[sflag:s22] =	ssyncset.done $0x0  }
0xa1: {  	[sflag:s22] =	ssyncadd.s32 s5;
	_ =	sdelay $0x1  }
0xa2: {  	s23 =	simm.s32 $0x1B8B  }
0xa3: {  	_ =	swait.ge [sflag:s23], $0x1  }
0xa4: {  	[sflag:s23] =	ssyncset.done $0x0  }
0xa5: {  	s25 =	simm.s32 $0x1B8E;
	s24 =	sld [smem:$0x3FFE];
	[sflag:s23] =	ssyncadd.s32 $0xFFFFFFFF  }
0xa6: {  	s26 =	simm.s32 $execute0_lowered;
	[smem:$0x3FD2] =	sst s25  }
0xa7: {  	s6 =	sshll.u32 s26, $0x1;
	_ =	strace $0x80000046;
	[dreg:$0x1] =	wrdreg $0xFFFFFFFF  }
0xa8: {  	s28 =	simm.s32 $_size_execute0_lowered;
	s4 =	sadd.s32 s4, s6;
	[dreg:$0x0] =	wrdreg $0x0  }
0xa9: {  	s6 =	sshll.u32 s28, $0x1;
	[dreg:$0x2] =	wrdreg s4  }
0xaa: {  	[dreg:$0x3] =	wrdreg s6  }
0xab: {  	[dreg:$0x4] =	wrdreg $0xC0  }
0xac: {  	_ =	task [dreg:s8], $0x5FFFF  }
0xad: {  	[dreg:$0x1] =	wrdreg $0xFFFFFFFF  }
0xae: {  	[dreg:$0x0] =	wrdreg $0x60  }
0xaf: {  	[dreg:$0x2] =	wrdreg s2  }
0xb0: {  	[dreg:$0x3] =	wrdreg s18  }
0xb1: {  	[dreg:$0x4] =	wrdreg s24  }
0xb2: {  	[dreg:$0x5] =	wrdreg $0x9  }
0xb3: {  	_ =	task.clear_ibuf [dreg:s8], $0x6FFFF;
	_ =	strace $0x90000046  }
0xb4: {  	s29 =	simm.s32 $0x9;
	_ =	strace $0x80000048  }
0xb5: {  	_ =	swait.ge [sflag:s29], $0x1  }
0xb6: {  	[sflag:s29] =	ssyncadd.s32 $0xFFFFFFFF  }
0xb7: {  	_ =	strace $0x90000048  }
0xb8: {  	_ =	sfence  }
0xb9: {  	s30 =	sld [smem:$0x0];
	_ =	sdelay $0x2  }
0xba: {  	s31 =	sshll.u32 s1, $0xD;
	s1 =	sshrl.u32 s1, $0x2  }
0xbb: {  	s3 =	sand.u32 $0x4000, s31;
	s1 =	sadd.s32 s1, s30  }
0xbc: {  	s0 =	sor.u32 s3, s0;
	s1 =	sshll.u32 s1, $0x11  }
0xbd: {  	s0 =	sor.u32 s1, s0  }
0xbe: {  	s0 =	sadd.s32 $0x8F2B, s0  }
0xbf: {  	[sflag:s0] =	ssyncadd.remote.s32 $0x1  }
0xc0: {  	_ =	sfence.sel $0xFFFF  }
0xc1: {  	[dreg:$0x0] =	wrdreg $0xFFFFFFFF;
	(pc) =	sbr.abs _section_cstart, $3  }
0xc2: {  	[dreg:$0x1] =	wrdreg $0xFFFFFFFF  }
0xc3: {  	_ =	task.clear_ibuf [dreg:s8], $0x2FFFF;
	_ =	strace $0x9FFFFFFF  }
0xc4: {  	(tm) =	ssettm $0x7FFFFFFF  }
0xc5: {  	_ =	shalt  }
tec
execute0_lowered:
.L_overlay_start_1:
0x0: {  	(tag) =	ssettag $0x1  }
0x1: {  	s1 =	rddreg [dreg:$0x0]  }
0x2: {  	s0 =	srdreg.scid;
	s3 =	rddreg [dreg:$0x1]  }
0x3: {  	s9 =	stileid.u32;
	s5 =	rddreg [dreg:$0x2]  }
0x4: {  	s4 =	simm.s32 $0x0;
	s6 =	simm.s32 $0x1;
	s28 =	simm.s32 $0x4  }
0x5: {  	s29 =	simm.s32 $0x5;
	s0 =	sand.u32 $0x1, s0;
	s2 =	sshll.u32 s9, $0x1  }
0x6: {  	s31 =	simm.s32 $0x0;
	[smem:$0x7FF] =	sst s4;
	s2 =	sor.u32 s0, s2  }
0x7: {  	p1 =	seq.s32 s0, $0x1;
	_ =	strace $0x80000047;
	p0 =	seq.s32 s2, $0x0  }
0x8: {  	s21 =	ssub.s32 $0x2, s0;
	s0 =	sshll.u32 s0, $0x8;
	p0 =	por !p0, !p1  }
0x9: {  	s7 =	sshll.u32 s2, $0x8;
	s2 =	sshll.u32 s2, $0x4;
	p0 =	por !p0, !p0  }
0xa: {  	s23 =	sshrl.u32 s21, $0x1;
	s8 =	sadd.s32 s7, s5;
	s6 =	simm.s32 @!p0 $0x0  }
0xb: {  	s2 =	sadd.s32 s2, s5;
	s7 =	simm.s32 $0x1;
	s6 =	ssub.s32 s9, s6  }
0xc: {  	s14 =	sadd.s32 $0x1000, s8;
	s15 =	sadd.s32 $0x3000, s2;
	s22 =	smul.u32 $0x600, s6  }
0xd: {  	s9 =	ssub.s32 s21, s23;
	s23 =	simm.s32 $0xE000;
	s6 =	sshll.u32 s6, $0x9  }
0xe: {  	s16 =	smax.u32 s9, $0x1;
	s6 =	sor.u32 s0, s6;
	s5 =	sor.u32 s0, s22  }
0xf: {  	s10 =	sshll.u32 s6, $0x6;
	s22 =	simm.s32 $0xC000;
	s24 =	sshll.u32 s5, $0x6  }
0x10: {  	s25 =	sand.u32 $0x1FFFC000, s10;
	s10 =	sadd.s32 s3, s10;
	s11 =	sadd.s32 s1, s24  }
0x11: {  	s0 =	sand.u32 $0x1FFFC000, s24;
	[dreg:$0x5] =	wrdreg s10;
	s13 =	sadd.s32 s25, s3  }
0x12: {  	[dreg:$0x4] =	wrdreg s11;
	s0 =	sadd.s32 s0, s1;
	s30 =	sadd.s32 $0x400, s13  }
0x13: {  	s24 =	simm.s32 $0x10000;
	s26 =	sadd.s32 $0x400, s0;
	[dreg:$0x7] =	wrdreg s30  }
0x14: {  	s25 =	simm.s32 $0x2;
	s0 =	sadd.s32 $0x800, s0;
	[dreg:$0x6] =	wrdreg s26  }
0x15: {  	v0 =	vimm.f32 $0.0e+00;
	v1 =	vimm.f32 $1.000000000e+00;
	s13 =	sadd.s32 $0x800, s13;
	[dreg:$0x8] =	wrdreg s0;
	s26 =	simm.s32 $0x3  }
.LBB2_1:
0x16: {  	s0 =	sand.u32 $0x1E00, s4  }
0x17: {  	s2 =	sand.u32 $0x70, s4;
	s8 =	sshrl.u32 s0, $0x2  }
0x18: {  	s0 =	simm.s32 $0x40;
	s8 =	sor.u32 s2, s8;
	s2 =	simm.s32 $0x0  }
.LBB2_2:
0x19: {  	p0 =	sne.s32 s0, $0x1FC0  }
0x1a: {  	[tilespmem:s8+$0x10000] =	vst v0;
	s2 =	sadd.s32 $0x10, s2;
	s8 =	smov.u32 s0;
	s0 =	sadd.s32 $0x40, s0  }
.Ltmp0:
0x1b: {  	(pc) =	sbr.rel @p0 .LBB2_2-.Ltmp0, $4  }
0x1c: {  	_ = 	snop  }
0x1d: {  	s8 =	sand.u32 $0x1E00, s8  }
0x1e: {  	s9 =	sand.u32 $0x70, s2;
	s8 =	sshrl.u32 s8, $0x2  }
0x1f: {  	s8 =	sor.u32 s9, s8  }
0x20: {  	[tilespmem:s8+$0x10000] =	vst v0;
	s2 =	simm.s32 $0x0;
	s0 =	rddreg [dreg:$0x4]  }
0x21: {  	[tilespmem:s2], [sflag:$0x1] =	stream.linear.gather [hbm4b:s0+s2], $0x2000, $0x38;
	[tilespmem:$0x10880] =	vst v63  }
0x22: {  	s10 =	rddreg [dreg:$0x5];
	s11 =	simm.s32 $0x2000  }
0x23: {  	[tilespmem:s11], [sflag:$0x1] =	stream.linear.gather [hbm4b:s10+s2], $0x2000, $0x38;
	[tilespmem:$0x10880] =	vst v63  }
0x24: {  	s12 =	rddreg [dreg:$0x6];
	s17 =	simm.s32 $0x4000  }
0x25: {  	[tilespmem:s17], [sflag:$0x2] =	stream.linear.gather [hbm4b:s12+s2], $0x2000, $0x38;
	[tilespmem:$0x10880] =	vst v63  }
0x26: {  	s18 =	rddreg [dreg:$0x7];
	s19 =	simm.s32 $0x6000  }
0x27: {  	[tilespmem:s19], [sflag:$0x2] =	stream.linear.gather [hbm4b:s18+s2], $0x2000, $0x38;
	[tilespmem:$0x10880] =	vst v63  }
0x28: {  	s20 =	rddreg [dreg:$0x8];
	s21 =	simm.s32 $0x8000  }
0x29: {  	[tilespmem:s21], [sflag:$0x3] =	stream.linear.gather [hbm4b:s20+s2], $0x2000, $0x38;
	[tilespmem:$0x10880] =	vst v63  }
0x2a: {  	s30 =	simm.s32 $0xA000;
	v4 =	vimm.f32 $1.000000000e+00;
	s0 =	simm.s32 $0x0  }
0x2b: {  	v2 =	vimm.s32 $0x0;
	v3 =	vimm.s32 $0x0;
	v5 =	vimm.f32 $1.000000000e+00;
	[tilespmem:s30], [sflag:$0x3] =	stream.linear.gather [hbm4b:s13+s2], $0x2000, $0x38;
	[tilespmem:$0x10880] =	vst v63  }
.LBB2_4:
0x2c: {  	s17 =	sshll.u32 s0, $0x6  }
0x2d: {  	s8 =	sor.u32 $0x30, s17  }
0x2e: {  	s9 =	sadd.s32 s5, s8  }
0x2f: {  	s8 =	sadd.s32 s6, s8;
	s9 =	sshll.u32 s9, $0x6  }
0x30: {  	s8 =	sshll.u32 s8, $0x6;
	s9 =	sadd.s32 s1, s9  }
0x31: {  	[tilespmem:s22], [sflag:$0x4] =	stream.linear.gather [hbm4b:s9+s2], $0x2000, $0x38;
	[tilespmem:$0x10880] =	vst v63  }
0x32: {  	s8 =	sadd.s32 s3, s8  }
0x33: {  	[tilespmem:s23], [sflag:$0x4] =	stream.linear.gather [hbm4b:s8+s2], $0x2000, $0x38;
	[tilespmem:$0x10880] =	vst v63  }
0x34: {  	_ =	swait.ge [sflag:s7], $0x2000  }
0x35: {  	[sflag:s7] =	ssyncset.done $0x0  }
0x36: {  	[sflag:s7] =	ssyncadd.s32 $0xFFFFE000  }
0x37: {  	_ =	swait.ge [sflag:s7], $0x2000  }
0x38: {  	s18 =	simm.s32 $0x0;
	[sflag:s7] =	ssyncset.done $0x0  }
0x39: {  	s20 =	simm.s32 $0x0;
	s9 =	simm.s32 $0x0;
	[sflag:s7] =	ssyncadd.s32 $0xFFFFE000  }
.LBB2_5:
0x3a: {  	s8 =	sshll.u32 s20, $0xA  }
0x3b: {  	s30 =	sand.u32 $0xC00, s18;
	s19 =	sand.u32 $0x7FFFF000, s8  }
0x3c: {  	s19 =	sor.u32 s19, s30;
	s30 =	sand.u32 $0x380, s9  }
0x3d: {  	s10 =	sand.u32 $0x40, s8;
	s19 =	sor.u32 s30, s19  }
0x3e: {  	s10 =	sor.u32 s10, s19  }
0x3f: {  	v10 =	vld [tilespmem:s10+$0x2030]  }
0x40: {  	v11 =	vld [tilespmem:s10+$0x20]  }
0x41: {  	v12 =	vld [tilespmem:s10+$0x2020]  }
0x42: {  	v13 =	vld [tilespmem:s10+$0x30]  }
0x43: {  	v14 =	vld [tilespmem:s10+$0x10]  }
0x44: {  	v15 =	vld [tilespmem:s10+$0x2010]  }
0x45: {  	v16 =	vld [tilespmem:s10+$0x2000]  }
0x46: {  	v6 =	vld [tilespmem:s10+$0x0]  }
0x47: {  	v7 =	vadd.f32 $1.000000000e+00, v11  }
0x48: {  	v8 =	vadd.f32 $1.000000000e+00, v14;
	v17 =	vsub.f32 $1.000000000e+00, v13  }
0x49: {  	vm0 =	vgt.f32 v12, $5.000000000e-01;
	v12 =	vsub.f32 $1.000000000e+00, v11;
	vm1 =	vgt.f32 v10, $5.000000000e-01  }
0x4a: {  	vm2 =	vgt.f32 v16, $5.000000000e-01;
	vm4 =	vgt.f32 v15, $5.000000000e-01;
	v10 =	vsub.f32 $1.000000000e+00, v14  }
0x4b: {  	s21 =	sadd.s32 $0x400, s8;
	s30 =	sadd.s32 $0x40, s8;
	v15 =	vsub.f32 $1.000000000e+00, v6;
	vm3 =	vmneg vm0;
	vm1 =	vmneg vm1  }
0x4c: {  	p0 =	slt.u32 s30, s21;
	vm0 =	vmneg vm2;
	vm2 =	vmneg vm4;
	v9 =	vshrl.u32 v7, $0xC  }
.Ltmp1:
0x4d: {  	v7 =	vadd.f32 $1.000000000e+00, v13;
	v13 =	vsel vm1, v17, v13;
	v9 =	vand.u32 $0x7FF, v9;
	(pc) =	sbr.rel @!p0 .LBB2_7-.Ltmp1, $4  }
0x4e: {  	v17 =	vsel vm0, v15, v6;
	v19 =	vsel vm2, v10, v14;
	v11 =	vsel vm3, v12, v11  }
0x4f: {  	v12 =	vshra.s32 v11, $0x17;
	v10 =	vshra.s32 v13, $0x17;
	v14 =	vand.u32 $0x7FFFFF, v13  }
0x50: {  	v16 =	vshra.s32 v17, $0x17;
	v13 =	vshra.s32 v19, $0x17;
	v15 =	vand.u32 $0x7FFFFF, v11  }
0x51: {  	s8 =	sadd.s32 $0x200, s18;
	s19 =	smov.u32 s9;
	v18 =	vand.u32 $0x7FFFFF, v17;
	v17 =	vand.u32 $0x7FFFFF, v19;
	v11 =	vnsel vm1, $0x7F, v10  }
.LBB2_6:
0x52: {  	s10 =	sand.u32 $0x7FFFF000, s30;
	s11 =	sand.u32 $0xC00, s8;
	v18 =	vor.u32 $0x3F800000, v18;
	v19 =	vnsel vm3, $0x7F, v12;
	[tilespmem:v9+s24+$0x0] =	vst.idx.add.f32.msk vm3, v1;
	v9 =	vor.u32 $0x3F800000, v14;
	s19 =	sadd.s32 $0x10, s19  }
0x53: {  	v14 =	vnsel vm0, $0x7F, v16;
	v21 =	vnsel vm2, $0x7F, v13;
	s10 =	sor.u32 s10, s11;
	s11 =	sand.u32 $0x380, s19;
	v20 =	vnsel vm0, $0x3F800000, v18  }
0x54: {  	s12 =	sand.u32 $0x40, s30;
	v17 =	vor.u32 $0x3F800000, v17;
	v5 =	vmul.f32 v18, v5;
	s10 =	sor.u32 s11, s10;
	v4 =	vmul.f32 v20, v4  }
0x55: {  	v3 =	vadd.s32 v3, v16;
	v15 =	vor.u32 $0x3F800000, v15;
	v16 =	vnsel vm2, $0x3F800000, v17;
	s10 =	sor.u32 s12, s10  }
0x56: {  	v3 =	vadd.s32 v13, v3;
	v5 =	vmul.f32 v17, v5;
	v18 =	vld [tilespmem:s10+$0x2030];
	v4 =	vmul.f32 v16, v4  }
0x57: {  	v2 =	vadd.s32 v2, v14;
	v3 =	vadd.s32 v12, v3;
	v12 =	vnsel vm3, $0x3F800000, v15;
	v13 =	vld [tilespmem:s10+$0x20]  }
0x58: {  	v2 =	vadd.s32 v21, v2;
	v5 =	vmul.f32 v15, v5;
	v14 =	vld [tilespmem:s10+$0x2020];
	v4 =	vmul.f32 v12, v4  }
0x59: {  	v2 =	vadd.s32 v19, v2;
	v3 =	vadd.s32 v10, v3;
	v10 =	vnsel vm1, $0x3F800000, v9;
	v12 =	vld [tilespmem:s10+$0x30]  }
0x5a: {  	v2 =	vadd.s32 v11, v2;
	v5 =	vmul.f32 v9, v5;
	v15 =	vld [tilespmem:s10+$0x10];
	v4 =	vmul.f32 v10, v4  }
0x5b: {  	s30 =	sadd.s32 $0x40, s30;
	v7 =	vshrl.u32 v7, $0xC;
	v9 =	vadd.f32 $1.000000000e+00, v6;
	v6 =	vshrl.u32 v8, $0xC;
	v10 =	vld [tilespmem:s10+$0x2010]  }
0x5c: {  	p0 =	slt.u32 s30, s21;
	v17 =	vand.u32 $0x7FF, v7;
	v16 =	vand.u32 $0x7FF, v6;
	v11 =	vld [tilespmem:s10+$0x2000];
	v8 =	vadd.f32 $1.000000000e+00, v13  }
0x5d: {  	v9 =	vshrl.u32 v9, $0xC;
	v6 =	vld [tilespmem:s10+$0x0]  }
0x5e: {  	v20 =	vand.u32 $0x7FF, v9;
	v19 =	vshrl.u32 v8, $0xC;
	v7 =	vadd.f32 $1.000000000e+00, v12  }
0x5f: {  	v8 =	vadd.f32 $1.000000000e+00, v15;
	v9 =	vand.u32 $0x7FF, v19;
	v19 =	vsub.f32 $1.000000000e+00, v12  }
0x60: {  	vm4 =	vgt.f32 v18, $5.000000000e-01;
	vm3 =	vgt.f32 v14, $5.000000000e-01;
	v14 =	vsub.f32 $1.000000000e+00, v13  }
0x61: {  	vm6 =	vgt.f32 v10, $5.000000000e-01;
	v10 =	vsub.f32 $1.000000000e+00, v15;
	vm5 =	vgt.f32 v11, $5.000000000e-01;
	[tilespmem:v16+s24+$0x0] =	vst.idx.add.f32.msk vm2, v1  }
0x62: {  	vm3 =	vmneg vm3;
	v11 =	vsub.f32 $1.000000000e+00, v6;
	[tilespmem:v17+s24+$0x0] =	vst.idx.add.f32.msk vm1, v1;
	vm1 =	vmneg vm4  }
.Ltmp2:
0x63: {  	vm2 =	vmneg vm6;
	v16 =	vsel vm1, v19, v12;
	[tilespmem:v20+s24+$0x0] =	vst.idx.add.f32.msk vm0, v1;
	vm0 =	vmneg vm5;
	(pc) =	sbr.rel @p0 .LBB2_6-.Ltmp2, $4  }
0x64: {  	v17 =	vsel vm2, v10, v15;
	v15 =	vsel vm3, v14, v13;
	v11 =	vsel vm0, v11, v6  }
0x65: {  	v12 =	vshra.s32 v15, $0x17;
	v10 =	vshra.s32 v16, $0x17;
	v14 =	vand.u32 $0x7FFFFF, v16  }
0x66: {  	v13 =	vshra.s32 v17, $0x17;
	v15 =	vand.u32 $0x7FFFFF, v15;
	v16 =	vshra.s32 v11, $0x17  }
0x67: {  	s8 =	sadd.s32 $0x200, s8;
	v17 =	vand.u32 $0x7FFFFF, v17;
	v18 =	vand.u32 $0x7FFFFF, v11;
	v11 =	vnsel vm1, $0x7F, v10  }
.LBB2_7:
0x68: {  	v18 =	vor.u32 $0x3F800000, v18;
	v19 =	vnsel vm3, $0x7F, v12;
	v20 =	vnsel vm0, $0x7F, v16  }
0x69: {  	v59 =	vnsel vm2, $0x7F, v13;
	v17 =	vor.u32 $0x3F800000, v17;
	v3 =	vadd.s32 v3, v16  }
0x6a: {  	v6 =	vadd.f32 $1.000000000e+00, v6;
	v8 =	vshrl.u32 v8, $0xC;
	v7 =	vshrl.u32 v7, $0xC  }
0x6b: {  	v15 =	vor.u32 $0x3F800000, v15;
	v21 =	vnsel vm0, $0x3F800000, v18;
	v5 =	vmul.f32 v18, v5  }
0x6c: {  	v62 =	vor.u32 $0x3F800000, v14;
	v60 =	vnsel vm2, $0x3F800000, v17;
	v4 =	vmul.f32 v21, v4  }
0x6d: {  	v8 =	vand.u32 $0x7FF, v8;
	v6 =	vshrl.u32 v6, $0xC;
	v5 =	vmul.f32 v17, v5  }
0x6e: {  	v7 =	vand.u32 $0x7FF, v7;
	v6 =	vand.u32 $0x7FF, v6;
	v4 =	vmul.f32 v60, v4  }
0x6f: {  	[tilespmem:v9+s24+$0x0] =	vst.idx.add.f32.msk vm3, v1;
	v2 =	vadd.s32 v2, v20;
	v61 =	vnsel vm3, $0x3F800000, v15;
	v5 =	vmul.f32 v15, v5  }
0x70: {  	s20 =	sadd.s32 $0x1, s20;
	v3 =	vadd.s32 v13, v3;
	v2 =	vadd.s32 v59, v2;
	v9 =	vmul.f32 v61, v4  }
0x71: {  	v63 =	vnsel vm1, $0x3F800000, v62;
	p0 =	seq.s32 s20, $0x8;
	v4 =	vadd.s32 v19, v2;
	v2 =	vmul.f32 v62, v5  }
.Ltmp3:
0x72: {  	v3 =	vadd.s32 v12, v3;
	v5 =	vmul.f32 v63, v9;
	(pc) =	sbr.rel @!p0 .LBB2_5-.Ltmp3, $4  }
0x73: {  	v3 =	vadd.s32 v10, v3;
	v4 =	vadd.s32 v11, v4;
	[tilespmem:v6+s24+$0x0] =	vst.idx.add.f32.msk vm0, v1;
	v6 =	vshra.s32 v2, $0x17  }
0x74: {  	v2 =	vand.u32 $0x7FFFFF, v2;
	v3 =	vadd.s32 v6, v3;
	v6 =	vshra.s32 v5, $0x17  }
0x75: {  	[tilespmem:v8+s24+$0x0] =	vst.idx.add.f32.msk vm2, v1;
	v3 =	vadd.s32 $0xFFFFFF81, v3;
	v4 =	vadd.s32 v6, v4;
	v6 =	vand.u32 $0x7FFFFF, v5  }
0x76: {  	s9 =	sadd.s32 $0x100, s9;
	s18 =	sadd.s32 $0x2000, s18;
	[tilespmem:v7+s24+$0x0] =	vst.idx.add.f32.msk vm1, v1;
	v5 =	vor.u32 $0x3F800000, v2;
	v2 =	vadd.s32 $0xFFFFFF81, v4;
	v4 =	vor.u32 $0x3F800000, v6  }
0x77: {  	p0 =	seq.s32 s0, $0x3  }
0x78: {  	s8 =	sadd.s32 @!p0 $0x40, s17  }
0x79: {  	s9 =	sadd.s32 @!p0 s5, s8  }
0x7a: {  	s8 =	sadd.s32 @!p0 s6, s8;
	s9 =	sshll.u32 @!p0 s9, $0x6  }
0x7b: {  	s10 =	simm.s32 @!p0 $0x0;
	s8 =	sshll.u32 @!p0 s8, $0x6;
	s9 =	sadd.s32 @!p0 s1, s9  }
0x7c: {  	[tilespmem:s10], [sflag:$0x1] =	stream.linear.gather @!p0 [hbm4b:s9+s10], $0x2000, $0x38;
	[tilespmem:$0x10880] =	vst v63  }
0x7d: {  	s8 =	sadd.s32 @!p0 s3, s8;
	s9 =	simm.s32 @!p0 $0x2000  }
0x7e: {  	[tilespmem:s9], [sflag:$0x1] =	stream.linear.gather @!p0 [hbm4b:s8+s10], $0x2000, $0x38;
	[tilespmem:$0x10880] =	vst v63  }
0x7f: {  	_ =	swait.ge [sflag:s25], $0x2000  }
0x80: {  	[sflag:s25] =	ssyncset.done $0x0  }
0x81: {  	[sflag:s25] =	ssyncadd.s32 $0xFFFFE000  }
0x82: {  	_ =	swait.ge [sflag:s25], $0x2000  }
0x83: {  	s18 =	simm.s32 $0x0;
	[sflag:s25] =	ssyncset.done $0x0  }
0x84: {  	s19 =	simm.s32 $0x0;
	s20 =	simm.s32 $0x0;
	[sflag:s25] =	ssyncadd.s32 $0xFFFFE000  }
.LBB2_9:
0x85: {  	s8 =	sshll.u32 s20, $0xA  }
0x86: {  	s10 =	sand.u32 $0xC00, s19;
	s9 =	sand.u32 $0x7FFFF000, s8  }
0x87: {  	s12 =	sand.u32 $0x380, s18;
	s9 =	sor.u32 s9, s10  }
0x88: {  	s11 =	sand.u32 $0x40, s8;
	s9 =	sor.u32 s12, s9  }
0x89: {  	s9 =	sor.u32 s11, s9  }
0x8a: {  	v10 =	vld [tilespmem:s9+$0x6030]  }
0x8b: {  	v11 =	vld [tilespmem:s9+$0x4020]  }
0x8c: {  	v12 =	vld [tilespmem:s9+$0x6020]  }
0x8d: {  	v13 =	vld [tilespmem:s9+$0x4030]  }
0x8e: {  	v14 =	vld [tilespmem:s9+$0x4010]  }
0x8f: {  	v15 =	vld [tilespmem:s9+$0x6010]  }
0x90: {  	v16 =	vld [tilespmem:s9+$0x6000]  }
0x91: {  	v6 =	vld [tilespmem:s9+$0x4000]  }
0x92: {  	v7 =	vadd.f32 $1.000000000e+00, v11  }
0x93: {  	v8 =	vadd.f32 $1.000000000e+00, v14;
	v17 =	vsub.f32 $1.000000000e+00, v13  }
0x94: {  	vm0 =	vgt.f32 v12, $5.000000000e-01;
	v12 =	vsub.f32 $1.000000000e+00, v11;
	vm1 =	vgt.f32 v10, $5.000000000e-01  }
0x95: {  	vm2 =	vgt.f32 v16, $5.000000000e-01;
	vm4 =	vgt.f32 v15, $5.000000000e-01;
	v10 =	vsub.f32 $1.000000000e+00, v14  }
0x96: {  	s21 =	sadd.s32 $0x400, s8;
	s30 =	sadd.s32 $0x40, s8;
	v15 =	vsub.f32 $1.000000000e+00, v6;
	vm3 =	vmneg vm0;
	vm1 =	vmneg vm1  }
0x97: {  	p1 =	slt.u32 s30, s21;
	vm0 =	vmneg vm2;
	vm2 =	vmneg vm4;
	v9 =	vshrl.u32 v7, $0xC  }
.Ltmp4:
0x98: {  	v7 =	vadd.f32 $1.000000000e+00, v13;
	v13 =	vsel vm1, v17, v13;
	v9 =	vand.u32 $0x7FF, v9;
	(pc) =	sbr.rel @!p1 .LBB2_11-.Ltmp4, $4  }
0x99: {  	v17 =	vsel vm0, v15, v6;
	v19 =	vsel vm2, v10, v14;
	v11 =	vsel vm3, v12, v11  }
0x9a: {  	v12 =	vshra.s32 v11, $0x17;
	v10 =	vshra.s32 v13, $0x17;
	v14 =	vand.u32 $0x7FFFFF, v13  }
0x9b: {  	v16 =	vshra.s32 v17, $0x17;
	v13 =	vshra.s32 v19, $0x17;
	v15 =	vand.u32 $0x7FFFFF, v11  }
0x9c: {  	s8 =	sadd.s32 $0x200, s19;
	s9 =	smov.u32 s18;
	v18 =	vand.u32 $0x7FFFFF, v17;
	v17 =	vand.u32 $0x7FFFFF, v19;
	v11 =	vnsel vm1, $0x7F, v10  }
.LBB2_10:
0x9d: {  	s10 =	sand.u32 $0x7FFFF000, s30;
	s11 =	sand.u32 $0xC00, s8;
	v18 =	vor.u32 $0x3F800000, v18;
	v19 =	vnsel vm3, $0x7F, v12;
	[tilespmem:v9+s24+$0x0] =	vst.idx.add.f32.msk vm3, v1;
	v9 =	vor.u32 $0x3F800000, v14;
	s9 =	sadd.s32 $0x10, s9  }
0x9e: {  	v14 =	vnsel vm0, $0x7F, v16;
	v21 =	vnsel vm2, $0x7F, v13;
	s10 =	sor.u32 s10, s11;
	s11 =	sand.u32 $0x380, s9;
	v20 =	vnsel vm0, $0x3F800000, v18  }
0x9f: {  	s12 =	sand.u32 $0x40, s30;
	v17 =	vor.u32 $0x3F800000, v17;
	v5 =	vmul.f32 v18, v5;
	s10 =	sor.u32 s11, s10;
	v4 =	vmul.f32 v20, v4  }
0xa0: {  	v3 =	vadd.s32 v3, v16;
	v15 =	vor.u32 $0x3F800000, v15;
	v16 =	vnsel vm2, $0x3F800000, v17;
	s10 =	sor.u32 s12, s10  }
0xa1: {  	v3 =	vadd.s32 v13, v3;
	v5 =	vmul.f32 v17, v5;
	v18 =	vld [tilespmem:s10+$0x6030];
	v4 =	vmul.f32 v16, v4  }
0xa2: {  	v2 =	vadd.s32 v2, v14;
	v3 =	vadd.s32 v12, v3;
	v12 =	vnsel vm3, $0x3F800000, v15;
	v13 =	vld [tilespmem:s10+$0x4020]  }
0xa3: {  	v2 =	vadd.s32 v21, v2;
	v5 =	vmul.f32 v15, v5;
	v14 =	vld [tilespmem:s10+$0x6020];
	v4 =	vmul.f32 v12, v4  }
0xa4: {  	v2 =	vadd.s32 v19, v2;
	v3 =	vadd.s32 v10, v3;
	v10 =	vnsel vm1, $0x3F800000, v9;
	v12 =	vld [tilespmem:s10+$0x4030]  }
0xa5: {  	v2 =	vadd.s32 v11, v2;
	v5 =	vmul.f32 v9, v5;
	v15 =	vld [tilespmem:s10+$0x4010];
	v4 =	vmul.f32 v10, v4  }
0xa6: {  	s30 =	sadd.s32 $0x40, s30;
	v7 =	vshrl.u32 v7, $0xC;
	v9 =	vadd.f32 $1.000000000e+00, v6;
	v6 =	vshrl.u32 v8, $0xC;
	v10 =	vld [tilespmem:s10+$0x6010]  }
0xa7: {  	p1 =	slt.u32 s30, s21;
	v17 =	vand.u32 $0x7FF, v7;
	v16 =	vand.u32 $0x7FF, v6;
	v11 =	vld [tilespmem:s10+$0x6000];
	v8 =	vadd.f32 $1.000000000e+00, v13  }
0xa8: {  	v9 =	vshrl.u32 v9, $0xC;
	v6 =	vld [tilespmem:s10+$0x4000]  }
0xa9: {  	v20 =	vand.u32 $0x7FF, v9;
	v19 =	vshrl.u32 v8, $0xC;
	v7 =	vadd.f32 $1.000000000e+00, v12  }
0xaa: {  	v8 =	vadd.f32 $1.000000000e+00, v15;
	v9 =	vand.u32 $0x7FF, v19;
	v19 =	vsub.f32 $1.000000000e+00, v12  }
0xab: {  	vm4 =	vgt.f32 v18, $5.000000000e-01;
	vm3 =	vgt.f32 v14, $5.000000000e-01;
	v14 =	vsub.f32 $1.000000000e+00, v13  }
0xac: {  	vm6 =	vgt.f32 v10, $5.000000000e-01;
	v10 =	vsub.f32 $1.000000000e+00, v15;
	vm5 =	vgt.f32 v11, $5.000000000e-01;
	[tilespmem:v16+s24+$0x0] =	vst.idx.add.f32.msk vm2, v1  }
0xad: {  	vm3 =	vmneg vm3;
	v11 =	vsub.f32 $1.000000000e+00, v6;
	[tilespmem:v17+s24+$0x0] =	vst.idx.add.f32.msk vm1, v1;
	vm1 =	vmneg vm4  }
.Ltmp5:
0xae: {  	vm2 =	vmneg vm6;
	v16 =	vsel vm1, v19, v12;
	[tilespmem:v20+s24+$0x0] =	vst.idx.add.f32.msk vm0, v1;
	vm0 =	vmneg vm5;
	(pc) =	sbr.rel @p1 .LBB2_10-.Ltmp5, $4  }
0xaf: {  	v17 =	vsel vm2, v10, v15;
	v15 =	vsel vm3, v14, v13;
	v11 =	vsel vm0, v11, v6  }
0xb0: {  	v12 =	vshra.s32 v15, $0x17;
	v10 =	vshra.s32 v16, $0x17;
	v14 =	vand.u32 $0x7FFFFF, v16  }
0xb1: {  	v13 =	vshra.s32 v17, $0x17;
	v15 =	vand.u32 $0x7FFFFF, v15;
	v16 =	vshra.s32 v11, $0x17  }
0xb2: {  	s8 =	sadd.s32 $0x200, s8;
	v17 =	vand.u32 $0x7FFFFF, v17;
	v18 =	vand.u32 $0x7FFFFF, v11;
	v11 =	vnsel vm1, $0x7F, v10  }
.LBB2_11:
0xb3: {  	v18 =	vor.u32 $0x3F800000, v18;
	v19 =	vnsel vm3, $0x7F, v12;
	v20 =	vnsel vm0, $0x7F, v16  }
0xb4: {  	v59 =	vnsel vm2, $0x7F, v13;
	v17 =	vor.u32 $0x3F800000, v17;
	v3 =	vadd.s32 v3, v16  }
0xb5: {  	v6 =	vadd.f32 $1.000000000e+00, v6;
	v8 =	vshrl.u32 v8, $0xC;
	v7 =	vshrl.u32 v7, $0xC  }
0xb6: {  	v15 =	vor.u32 $0x3F800000, v15;
	v21 =	vnsel vm0, $0x3F800000, v18;
	v5 =	vmul.f32 v18, v5  }
0xb7: {  	v62 =	vor.u32 $0x3F800000, v14;
	v60 =	vnsel vm2, $0x3F800000, v17;
	v4 =	vmul.f32 v21, v4  }
0xb8: {  	v8 =	vand.u32 $0x7FF, v8;
	v6 =	vshrl.u32 v6, $0xC;
	v5 =	vmul.f32 v17, v5  }
0xb9: {  	v7 =	vand.u32 $0x7FF, v7;
	v6 =	vand.u32 $0x7FF, v6;
	v4 =	vmul.f32 v60, v4  }
0xba: {  	[tilespmem:v9+s24+$0x0] =	vst.idx.add.f32.msk vm3, v1;
	v2 =	vadd.s32 v2, v20;
	v61 =	vnsel vm3, $0x3F800000, v15;
	v5 =	vmul.f32 v15, v5  }
0xbb: {  	s20 =	sadd.s32 $0x1, s20;
	v3 =	vadd.s32 v13, v3;
	v2 =	vadd.s32 v59, v2;
	v9 =	vmul.f32 v61, v4  }
0xbc: {  	v63 =	vnsel vm1, $0x3F800000, v62;
	p1 =	seq.s32 s20, $0x8;
	v4 =	vadd.s32 v19, v2;
	v2 =	vmul.f32 v62, v5  }
.Ltmp6:
0xbd: {  	v3 =	vadd.s32 v12, v3;
	v5 =	vmul.f32 v63, v9;
	(pc) =	sbr.rel @!p1 .LBB2_9-.Ltmp6, $4  }
0xbe: {  	v3 =	vadd.s32 v10, v3;
	v4 =	vadd.s32 v11, v4;
	[tilespmem:v6+s24+$0x0] =	vst.idx.add.f32.msk vm0, v1;
	v6 =	vshra.s32 v2, $0x17  }
0xbf: {  	v2 =	vand.u32 $0x7FFFFF, v2;
	v3 =	vadd.s32 v6, v3;
	v6 =	vshra.s32 v5, $0x17  }
0xc0: {  	[tilespmem:v8+s24+$0x0] =	vst.idx.add.f32.msk vm2, v1;
	v3 =	vadd.s32 $0xFFFFFF81, v3;
	v4 =	vadd.s32 v6, v4;
	v6 =	vand.u32 $0x7FFFFF, v5  }
0xc1: {  	s18 =	sadd.s32 $0x100, s18;
	s19 =	sadd.s32 $0x2000, s19;
	[tilespmem:v7+s24+$0x0] =	vst.idx.add.f32.msk vm1, v1;
	v5 =	vor.u32 $0x3F800000, v2;
	v2 =	vadd.s32 $0xFFFFFF81, v4;
	v4 =	vor.u32 $0x3F800000, v6  }
0xc2: {  	s8 =	sadd.s32 @!p0 $0x50, s17  }
0xc3: {  	s9 =	sadd.s32 @!p0 s5, s8  }
0xc4: {  	s10 =	simm.s32 @!p0 $0x0;
	s8 =	sadd.s32 @!p0 s6, s8;
	s9 =	sshll.u32 @!p0 s9, $0x6  }
0xc5: {  	s11 =	simm.s32 @!p0 $0x4000;
	s8 =	sshll.u32 @!p0 s8, $0x6;
	s9 =	sadd.s32 @!p0 s1, s9  }
0xc6: {  	[tilespmem:s11], [sflag:$0x2] =	stream.linear.gather @!p0 [hbm4b:s9+s10], $0x2000, $0x38;
	[tilespmem:$0x10880] =	vst v63  }
0xc7: {  	s8 =	sadd.s32 @!p0 s3, s8;
	s9 =	simm.s32 @!p0 $0x6000  }
0xc8: {  	[tilespmem:s9], [sflag:$0x2] =	stream.linear.gather @!p0 [hbm4b:s8+s10], $0x2000, $0x38;
	[tilespmem:$0x10880] =	vst v63  }
0xc9: {  	_ =	swait.ge [sflag:s26], $0x2000  }
0xca: {  	[sflag:s26] =	ssyncset.done $0x0  }
0xcb: {  	[sflag:s26] =	ssyncadd.s32 $0xFFFFE000  }
0xcc: {  	_ =	swait.ge [sflag:s26], $0x2000  }
0xcd: {  	s18 =	simm.s32 $0x0;
	[sflag:s26] =	ssyncset.done $0x0  }
0xce: {  	s19 =	simm.s32 $0x0;
	s20 =	simm.s32 $0x0;
	[sflag:s26] =	ssyncadd.s32 $0xFFFFE000  }
.LBB2_13:
0xcf: {  	s8 =	sshll.u32 s20, $0xA  }
0xd0: {  	s10 =	sand.u32 $0xC00, s19;
	s9 =	sand.u32 $0x7FFFF000, s8  }
0xd1: {  	s12 =	sand.u32 $0x380, s18;
	s9 =	sor.u32 s9, s10  }
0xd2: {  	s11 =	sand.u32 $0x40, s8;
	s9 =	sor.u32 s12, s9  }
0xd3: {  	s9 =	sor.u32 s11, s9  }
0xd4: {  	v10 =	vld [tilespmem:s9+$0xA030]  }
0xd5: {  	v11 =	vld [tilespmem:s9+$0x8020]  }
0xd6: {  	v12 =	vld [tilespmem:s9+$0xA020]  }
0xd7: {  	v13 =	vld [tilespmem:s9+$0x8030]  }
0xd8: {  	v14 =	vld [tilespmem:s9+$0x8010]  }
0xd9: {  	v15 =	vld [tilespmem:s9+$0xA010]  }
0xda: {  	v16 =	vld [tilespmem:s9+$0xA000]  }
0xdb: {  	v6 =	vld [tilespmem:s9+$0x8000]  }
0xdc: {  	v7 =	vadd.f32 $1.000000000e+00, v11  }
0xdd: {  	v8 =	vadd.f32 $1.000000000e+00, v14;
	v17 =	vsub.f32 $1.000000000e+00, v13  }
0xde: {  	vm0 =	vgt.f32 v12, $5.000000000e-01;
	v12 =	vsub.f32 $1.000000000e+00, v11;
	vm1 =	vgt.f32 v10, $5.000000000e-01  }
0xdf: {  	vm2 =	vgt.f32 v16, $5.000000000e-01;
	vm4 =	vgt.f32 v15, $5.000000000e-01;
	v10 =	vsub.f32 $1.000000000e+00, v14  }
0xe0: {  	s21 =	sadd.s32 $0x400, s8;
	s30 =	sadd.s32 $0x40, s8;
	v15 =	vsub.f32 $1.000000000e+00, v6;
	vm3 =	vmneg vm0;
	vm1 =	vmneg vm1  }
0xe1: {  	p1 =	slt.u32 s30, s21;
	vm0 =	vmneg vm2;
	vm2 =	vmneg vm4;
	v9 =	vshrl.u32 v7, $0xC  }
.Ltmp7:
0xe2: {  	v7 =	vadd.f32 $1.000000000e+00, v13;
	v13 =	vsel vm1, v17, v13;
	v9 =	vand.u32 $0x7FF, v9;
	(pc) =	sbr.rel @!p1 .LBB2_15-.Ltmp7, $4  }
0xe3: {  	v17 =	vsel vm0, v15, v6;
	v19 =	vsel vm2, v10, v14;
	v11 =	vsel vm3, v12, v11  }
0xe4: {  	v12 =	vshra.s32 v11, $0x17;
	v10 =	vshra.s32 v13, $0x17;
	v14 =	vand.u32 $0x7FFFFF, v13  }
0xe5: {  	v16 =	vshra.s32 v17, $0x17;
	v13 =	vshra.s32 v19, $0x17;
	v15 =	vand.u32 $0x7FFFFF, v11  }
0xe6: {  	s8 =	sadd.s32 $0x200, s19;
	s9 =	smov.u32 s18;
	v18 =	vand.u32 $0x7FFFFF, v17;
	v17 =	vand.u32 $0x7FFFFF, v19;
	v11 =	vnsel vm1, $0x7F, v10  }
.LBB2_14:
0xe7: {  	s10 =	sand.u32 $0x7FFFF000, s30;
	s11 =	sand.u32 $0xC00, s8;
	v18 =	vor.u32 $0x3F800000, v18;
	v19 =	vnsel vm3, $0x7F, v12;
	[tilespmem:v9+s24+$0x0] =	vst.idx.add.f32.msk vm3, v1;
	v9 =	vor.u32 $0x3F800000, v14;
	s9 =	sadd.s32 $0x10, s9  }
0xe8: {  	v14 =	vnsel vm0, $0x7F, v16;
	v21 =	vnsel vm2, $0x7F, v13;
	s10 =	sor.u32 s10, s11;
	s11 =	sand.u32 $0x380, s9;
	v20 =	vnsel vm0, $0x3F800000, v18  }
0xe9: {  	s12 =	sand.u32 $0x40, s30;
	v17 =	vor.u32 $0x3F800000, v17;
	v5 =	vmul.f32 v18, v5;
	s10 =	sor.u32 s11, s10;
	v4 =	vmul.f32 v20, v4  }
0xea: {  	v3 =	vadd.s32 v3, v16;
	v15 =	vor.u32 $0x3F800000, v15;
	v16 =	vnsel vm2, $0x3F800000, v17;
	s10 =	sor.u32 s12, s10  }
0xeb: {  	v3 =	vadd.s32 v13, v3;
	v5 =	vmul.f32 v17, v5;
	v18 =	vld [tilespmem:s10+$0xA030];
	v4 =	vmul.f32 v16, v4  }
0xec: {  	v2 =	vadd.s32 v2, v14;
	v3 =	vadd.s32 v12, v3;
	v12 =	vnsel vm3, $0x3F800000, v15;
	v13 =	vld [tilespmem:s10+$0x8020]  }
0xed: {  	v2 =	vadd.s32 v21, v2;
	v5 =	vmul.f32 v15, v5;
	v14 =	vld [tilespmem:s10+$0xA020];
	v4 =	vmul.f32 v12, v4  }
0xee: {  	v2 =	vadd.s32 v19, v2;
	v3 =	vadd.s32 v10, v3;
	v10 =	vnsel vm1, $0x3F800000, v9;
	v12 =	vld [tilespmem:s10+$0x8030]  }
0xef: {  	v2 =	vadd.s32 v11, v2;
	v5 =	vmul.f32 v9, v5;
	v15 =	vld [tilespmem:s10+$0x8010];
	v4 =	vmul.f32 v10, v4  }
0xf0: {  	s30 =	sadd.s32 $0x40, s30;
	v7 =	vshrl.u32 v7, $0xC;
	v9 =	vadd.f32 $1.000000000e+00, v6;
	v6 =	vshrl.u32 v8, $0xC;
	v10 =	vld [tilespmem:s10+$0xA010]  }
0xf1: {  	p1 =	slt.u32 s30, s21;
	v17 =	vand.u32 $0x7FF, v7;
	v16 =	vand.u32 $0x7FF, v6;
	v11 =	vld [tilespmem:s10+$0xA000];
	v8 =	vadd.f32 $1.000000000e+00, v13  }
0xf2: {  	v9 =	vshrl.u32 v9, $0xC;
	v6 =	vld [tilespmem:s10+$0x8000]  }
0xf3: {  	v20 =	vand.u32 $0x7FF, v9;
	v19 =	vshrl.u32 v8, $0xC;
	v7 =	vadd.f32 $1.000000000e+00, v12  }
0xf4: {  	v8 =	vadd.f32 $1.000000000e+00, v15;
	v9 =	vand.u32 $0x7FF, v19;
	v19 =	vsub.f32 $1.000000000e+00, v12  }
0xf5: {  	vm4 =	vgt.f32 v18, $5.000000000e-01;
	vm3 =	vgt.f32 v14, $5.000000000e-01;
	v14 =	vsub.f32 $1.000000000e+00, v13  }
0xf6: {  	vm6 =	vgt.f32 v10, $5.000000000e-01;
	v10 =	vsub.f32 $1.000000000e+00, v15;
	vm5 =	vgt.f32 v11, $5.000000000e-01;
	[tilespmem:v16+s24+$0x0] =	vst.idx.add.f32.msk vm2, v1  }
0xf7: {  	vm3 =	vmneg vm3;
	v11 =	vsub.f32 $1.000000000e+00, v6;
	[tilespmem:v17+s24+$0x0] =	vst.idx.add.f32.msk vm1, v1;
	vm1 =	vmneg vm4  }
.Ltmp8:
0xf8: {  	vm2 =	vmneg vm6;
	v16 =	vsel vm1, v19, v12;
	[tilespmem:v20+s24+$0x0] =	vst.idx.add.f32.msk vm0, v1;
	vm0 =	vmneg vm5;
	(pc) =	sbr.rel @p1 .LBB2_14-.Ltmp8, $4  }
0xf9: {  	v17 =	vsel vm2, v10, v15;
	v15 =	vsel vm3, v14, v13;
	v11 =	vsel vm0, v11, v6  }
0xfa: {  	v12 =	vshra.s32 v15, $0x17;
	v10 =	vshra.s32 v16, $0x17;
	v14 =	vand.u32 $0x7FFFFF, v16  }
0xfb: {  	v13 =	vshra.s32 v17, $0x17;
	v15 =	vand.u32 $0x7FFFFF, v15;
	v16 =	vshra.s32 v11, $0x17  }
0xfc: {  	s8 =	sadd.s32 $0x200, s8;
	v17 =	vand.u32 $0x7FFFFF, v17;
	v18 =	vand.u32 $0x7FFFFF, v11;
	v11 =	vnsel vm1, $0x7F, v10  }
.LBB2_15:
0xfd: {  	v18 =	vor.u32 $0x3F800000, v18;
	v19 =	vnsel vm3, $0x7F, v12;
	v20 =	vnsel vm0, $0x7F, v16  }
0xfe: {  	v59 =	vnsel vm2, $0x7F, v13;
	v17 =	vor.u32 $0x3F800000, v17;
	v3 =	vadd.s32 v3, v16  }
0xff: {  	v6 =	vadd.f32 $1.000000000e+00, v6;
	v8 =	vshrl.u32 v8, $0xC;
	v7 =	vshrl.u32 v7, $0xC  }
0x100: {  	v15 =	vor.u32 $0x3F800000, v15;
	v21 =	vnsel vm0, $0x3F800000, v18;
	v5 =	vmul.f32 v18, v5  }
0x101: {  	v62 =	vor.u32 $0x3F800000, v14;
	v60 =	vnsel vm2, $0x3F800000, v17;
	v4 =	vmul.f32 v21, v4  }
0x102: {  	v8 =	vand.u32 $0x7FF, v8;
	v6 =	vshrl.u32 v6, $0xC;
	v5 =	vmul.f32 v17, v5  }
0x103: {  	v7 =	vand.u32 $0x7FF, v7;
	v6 =	vand.u32 $0x7FF, v6;
	v4 =	vmul.f32 v60, v4  }
0x104: {  	[tilespmem:v9+s24+$0x0] =	vst.idx.add.f32.msk vm3, v1;
	v2 =	vadd.s32 v2, v20;
	v61 =	vnsel vm3, $0x3F800000, v15;
	v5 =	vmul.f32 v15, v5  }
0x105: {  	s20 =	sadd.s32 $0x1, s20;
	v3 =	vadd.s32 v13, v3;
	v2 =	vadd.s32 v59, v2;
	v9 =	vmul.f32 v61, v4  }
0x106: {  	v63 =	vnsel vm1, $0x3F800000, v62;
	p1 =	seq.s32 s20, $0x8;
	v4 =	vadd.s32 v19, v2;
	v2 =	vmul.f32 v62, v5  }
.Ltmp9:
0x107: {  	v3 =	vadd.s32 v12, v3;
	v5 =	vmul.f32 v63, v9;
	(pc) =	sbr.rel @!p1 .LBB2_13-.Ltmp9, $4  }
0x108: {  	v3 =	vadd.s32 v10, v3;
	v4 =	vadd.s32 v11, v4;
	[tilespmem:v6+s24+$0x0] =	vst.idx.add.f32.msk vm0, v1;
	v6 =	vshra.s32 v2, $0x17  }
0x109: {  	v2 =	vand.u32 $0x7FFFFF, v2;
	v3 =	vadd.s32 v6, v3;
	v6 =	vshra.s32 v5, $0x17  }
0x10a: {  	[tilespmem:v8+s24+$0x0] =	vst.idx.add.f32.msk vm2, v1;
	v3 =	vadd.s32 $0xFFFFFF81, v3;
	v4 =	vadd.s32 v6, v4;
	v6 =	vand.u32 $0x7FFFFF, v5  }
0x10b: {  	s18 =	sadd.s32 $0x100, s18;
	s19 =	sadd.s32 $0x2000, s19;
	[tilespmem:v7+s24+$0x0] =	vst.idx.add.f32.msk vm1, v1;
	v5 =	vor.u32 $0x3F800000, v2;
	v2 =	vadd.s32 $0xFFFFFF81, v4;
	v4 =	vor.u32 $0x3F800000, v6  }
0x10c: {  	s8 =	sadd.s32 @!p0 $0x60, s17  }
0x10d: {  	s9 =	sadd.s32 @!p0 s5, s8  }
0x10e: {  	s10 =	simm.s32 @!p0 $0x0;
	s8 =	sadd.s32 @!p0 s6, s8;
	s9 =	sshll.u32 @!p0 s9, $0x6  }
0x10f: {  	s11 =	simm.s32 @!p0 $0x8000;
	s8 =	sshll.u32 @!p0 s8, $0x6;
	s9 =	sadd.s32 @!p0 s1, s9  }
0x110: {  	[tilespmem:s11], [sflag:$0x3] =	stream.linear.gather @!p0 [hbm4b:s9+s10], $0x2000, $0x38;
	[tilespmem:$0x10880] =	vst v63  }
0x111: {  	s8 =	sadd.s32 @!p0 s3, s8;
	s9 =	simm.s32 @!p0 $0xA000  }
0x112: {  	[tilespmem:s9], [sflag:$0x3] =	stream.linear.gather @!p0 [hbm4b:s8+s10], $0x2000, $0x38;
	[tilespmem:$0x10880] =	vst v63  }
0x113: {  	_ =	swait.ge [sflag:s28], $0x2000  }
0x114: {  	[sflag:s28] =	ssyncset.done $0x0  }
0x115: {  	[sflag:s28] =	ssyncadd.s32 $0xFFFFE000  }
0x116: {  	_ =	swait.ge [sflag:s28], $0x2000  }
0x117: {  	s17 =	simm.s32 $0x0;
	[sflag:s28] =	ssyncset.done $0x0  }
0x118: {  	s18 =	simm.s32 $0x0;
	s19 =	simm.s32 $0x0;
	[sflag:s28] =	ssyncadd.s32 $0xFFFFE000  }
.LBB2_17:
0x119: {  	s8 =	sshll.u32 s19, $0xA  }
0x11a: {  	s10 =	sand.u32 $0xC00, s18;
	s9 =	sand.u32 $0x7FFFF000, s8  }
0x11b: {  	s30 =	sand.u32 $0x380, s17;
	s9 =	sor.u32 s9, s10  }
0x11c: {  	s11 =	sand.u32 $0x40, s8;
	s9 =	sor.u32 s30, s9  }
0x11d: {  	s9 =	sor.u32 s11, s9  }
0x11e: {  	v10 =	vld [tilespmem:s9+$0xE030]  }
0x11f: {  	v11 =	vld [tilespmem:s9+$0xC020]  }
0x120: {  	v12 =	vld [tilespmem:s9+$0xE020]  }
0x121: {  	v13 =	vld [tilespmem:s9+$0xC030]  }
0x122: {  	v14 =	vld [tilespmem:s9+$0xC010]  }
0x123: {  	v15 =	vld [tilespmem:s9+$0xE010]  }
0x124: {  	v16 =	vld [tilespmem:s9+$0xE000]  }
0x125: {  	v6 =	vld [tilespmem:s9+$0xC000]  }
0x126: {  	v7 =	vadd.f32 $1.000000000e+00, v11  }
0x127: {  	v8 =	vadd.f32 $1.000000000e+00, v14;
	v17 =	vsub.f32 $1.000000000e+00, v13  }
0x128: {  	vm0 =	vgt.f32 v12, $5.000000000e-01;
	v12 =	vsub.f32 $1.000000000e+00, v11;
	vm1 =	vgt.f32 v10, $5.000000000e-01  }
0x129: {  	vm2 =	vgt.f32 v16, $5.000000000e-01;
	vm4 =	vgt.f32 v15, $5.000000000e-01;
	v10 =	vsub.f32 $1.000000000e+00, v14  }
0x12a: {  	s20 =	sadd.s32 $0x400, s8;
	s21 =	sadd.s32 $0x40, s8;
	v15 =	vsub.f32 $1.000000000e+00, v6;
	vm3 =	vmneg vm0;
	vm1 =	vmneg vm1  }
0x12b: {  	p0 =	slt.u32 s21, s20;
	vm0 =	vmneg vm2;
	vm2 =	vmneg vm4;
	v9 =	vshrl.u32 v7, $0xC  }
.Ltmp10:
0x12c: {  	v7 =	vadd.f32 $1.000000000e+00, v13;
	v13 =	vsel vm1, v17, v13;
	v9 =	vand.u32 $0x7FF, v9;
	(pc) =	sbr.rel @!p0 .LBB2_19-.Ltmp10, $4  }
0x12d: {  	v17 =	vsel vm0, v15, v6;
	v19 =	vsel vm2, v10, v14;
	v11 =	vsel vm3, v12, v11  }
0x12e: {  	v12 =	vshra.s32 v11, $0x17;
	v10 =	vshra.s32 v13, $0x17;
	v14 =	vand.u32 $0x7FFFFF, v13  }
0x12f: {  	v16 =	vshra.s32 v17, $0x17;
	v13 =	vshra.s32 v19, $0x17;
	v15 =	vand.u32 $0x7FFFFF, v11  }
0x130: {  	s8 =	sadd.s32 $0x200, s18;
	s9 =	smov.u32 s17;
	v18 =	vand.u32 $0x7FFFFF, v17;
	v17 =	vand.u32 $0x7FFFFF, v19;
	v11 =	vnsel vm1, $0x7F, v10  }
.LBB2_18:
0x131: {  	s10 =	sand.u32 $0x7FFFF000, s21;
	s11 =	sand.u32 $0xC00, s8;
	v18 =	vor.u32 $0x3F800000, v18;
	v19 =	vnsel vm3, $0x7F, v12;
	[tilespmem:v9+s24+$0x0] =	vst.idx.add.f32.msk vm3, v1;
	v9 =	vor.u32 $0x3F800000, v14;
	s9 =	sadd.s32 $0x10, s9  }
0x132: {  	v14 =	vnsel vm0, $0x7F, v16;
	v21 =	vnsel vm2, $0x7F, v13;
	s10 =	sor.u32 s10, s11;
	s11 =	sand.u32 $0x380, s9;
	v20 =	vnsel vm0, $0x3F800000, v18  }
0x133: {  	s12 =	sand.u32 $0x40, s21;
	v17 =	vor.u32 $0x3F800000, v17;
	v5 =	vmul.f32 v18, v5;
	s10 =	sor.u32 s11, s10;
	v4 =	vmul.f32 v20, v4  }
0x134: {  	v3 =	vadd.s32 v3, v16;
	v15 =	vor.u32 $0x3F800000, v15;
	v16 =	vnsel vm2, $0x3F800000, v17;
	s10 =	sor.u32 s12, s10  }
0x135: {  	v3 =	vadd.s32 v13, v3;
	v5 =	vmul.f32 v17, v5;
	v18 =	vld [tilespmem:s10+$0xE030];
	v4 =	vmul.f32 v16, v4  }
0x136: {  	v2 =	vadd.s32 v2, v14;
	v3 =	vadd.s32 v12, v3;
	v12 =	vnsel vm3, $0x3F800000, v15;
	v13 =	vld [tilespmem:s10+$0xC020]  }
0x137: {  	v2 =	vadd.s32 v21, v2;
	v5 =	vmul.f32 v15, v5;
	v14 =	vld [tilespmem:s10+$0xE020];
	v4 =	vmul.f32 v12, v4  }
0x138: {  	v2 =	vadd.s32 v19, v2;
	v3 =	vadd.s32 v10, v3;
	v10 =	vnsel vm1, $0x3F800000, v9;
	v12 =	vld [tilespmem:s10+$0xC030]  }
0x139: {  	v2 =	vadd.s32 v11, v2;
	v5 =	vmul.f32 v9, v5;
	v15 =	vld [tilespmem:s10+$0xC010];
	v4 =	vmul.f32 v10, v4  }
0x13a: {  	s21 =	sadd.s32 $0x40, s21;
	v7 =	vshrl.u32 v7, $0xC;
	v9 =	vadd.f32 $1.000000000e+00, v6;
	v6 =	vshrl.u32 v8, $0xC;
	v10 =	vld [tilespmem:s10+$0xE010]  }
0x13b: {  	p0 =	slt.u32 s21, s20;
	v17 =	vand.u32 $0x7FF, v7;
	v16 =	vand.u32 $0x7FF, v6;
	v11 =	vld [tilespmem:s10+$0xE000];
	v8 =	vadd.f32 $1.000000000e+00, v13  }
0x13c: {  	v9 =	vshrl.u32 v9, $0xC;
	v6 =	vld [tilespmem:s10+$0xC000]  }
0x13d: {  	v20 =	vand.u32 $0x7FF, v9;
	v19 =	vshrl.u32 v8, $0xC;
	v7 =	vadd.f32 $1.000000000e+00, v12  }
0x13e: {  	v8 =	vadd.f32 $1.000000000e+00, v15;
	v9 =	vand.u32 $0x7FF, v19;
	v19 =	vsub.f32 $1.000000000e+00, v12  }
0x13f: {  	vm4 =	vgt.f32 v18, $5.000000000e-01;
	vm3 =	vgt.f32 v14, $5.000000000e-01;
	v14 =	vsub.f32 $1.000000000e+00, v13  }
0x140: {  	vm6 =	vgt.f32 v10, $5.000000000e-01;
	v10 =	vsub.f32 $1.000000000e+00, v15;
	vm5 =	vgt.f32 v11, $5.000000000e-01;
	[tilespmem:v16+s24+$0x0] =	vst.idx.add.f32.msk vm2, v1  }
0x141: {  	vm3 =	vmneg vm3;
	v11 =	vsub.f32 $1.000000000e+00, v6;
	[tilespmem:v17+s24+$0x0] =	vst.idx.add.f32.msk vm1, v1;
	vm1 =	vmneg vm4  }
.Ltmp11:
0x142: {  	vm2 =	vmneg vm6;
	v16 =	vsel vm1, v19, v12;
	[tilespmem:v20+s24+$0x0] =	vst.idx.add.f32.msk vm0, v1;
	vm0 =	vmneg vm5;
	(pc) =	sbr.rel @p0 .LBB2_18-.Ltmp11, $4  }
0x143: {  	v17 =	vsel vm2, v10, v15;
	v15 =	vsel vm3, v14, v13;
	v11 =	vsel vm0, v11, v6  }
0x144: {  	v12 =	vshra.s32 v15, $0x17;
	v10 =	vshra.s32 v16, $0x17;
	v14 =	vand.u32 $0x7FFFFF, v16  }
0x145: {  	v13 =	vshra.s32 v17, $0x17;
	v15 =	vand.u32 $0x7FFFFF, v15;
	v16 =	vshra.s32 v11, $0x17  }
0x146: {  	s8 =	sadd.s32 $0x200, s8;
	v17 =	vand.u32 $0x7FFFFF, v17;
	v18 =	vand.u32 $0x7FFFFF, v11;
	v11 =	vnsel vm1, $0x7F, v10  }
.LBB2_19:
0x147: {  	v18 =	vor.u32 $0x3F800000, v18;
	v19 =	vnsel vm3, $0x7F, v12;
	v20 =	vnsel vm0, $0x7F, v16  }
0x148: {  	v59 =	vnsel vm2, $0x7F, v13;
	v17 =	vor.u32 $0x3F800000, v17;
	v3 =	vadd.s32 v3, v16  }
0x149: {  	v6 =	vadd.f32 $1.000000000e+00, v6;
	v8 =	vshrl.u32 v8, $0xC;
	v7 =	vshrl.u32 v7, $0xC  }
0x14a: {  	v15 =	vor.u32 $0x3F800000, v15;
	v21 =	vnsel vm0, $0x3F800000, v18;
	v5 =	vmul.f32 v18, v5  }
0x14b: {  	v62 =	vor.u32 $0x3F800000, v14;
	v60 =	vnsel vm2, $0x3F800000, v17;
	v4 =	vmul.f32 v21, v4  }
0x14c: {  	v8 =	vand.u32 $0x7FF, v8;
	v6 =	vshrl.u32 v6, $0xC;
	v5 =	vmul.f32 v17, v5  }
0x14d: {  	v7 =	vand.u32 $0x7FF, v7;
	v6 =	vand.u32 $0x7FF, v6;
	v4 =	vmul.f32 v60, v4  }
0x14e: {  	[tilespmem:v9+s24+$0x0] =	vst.idx.add.f32.msk vm3, v1;
	v2 =	vadd.s32 v2, v20;
	v61 =	vnsel vm3, $0x3F800000, v15;
	v5 =	vmul.f32 v15, v5  }
0x14f: {  	s19 =	sadd.s32 $0x1, s19;
	v3 =	vadd.s32 v13, v3;
	v2 =	vadd.s32 v59, v2;
	v9 =	vmul.f32 v61, v4  }
0x150: {  	v63 =	vnsel vm1, $0x3F800000, v62;
	p0 =	seq.s32 s19, $0x8;
	v4 =	vadd.s32 v19, v2;
	v2 =	vmul.f32 v62, v5  }
.Ltmp12:
0x151: {  	v3 =	vadd.s32 v12, v3;
	v5 =	vmul.f32 v63, v9;
	(pc) =	sbr.rel @!p0 .LBB2_17-.Ltmp12, $4  }
0x152: {  	v3 =	vadd.s32 v10, v3;
	v4 =	vadd.s32 v11, v4;
	[tilespmem:v6+s24+$0x0] =	vst.idx.add.f32.msk vm0, v1;
	v6 =	vshra.s32 v2, $0x17  }
0x153: {  	v2 =	vand.u32 $0x7FFFFF, v2;
	v3 =	vadd.s32 v6, v3;
	v6 =	vshra.s32 v5, $0x17  }
0x154: {  	[tilespmem:v8+s24+$0x0] =	vst.idx.add.f32.msk vm2, v1;
	v3 =	vadd.s32 $0xFFFFFF81, v3;
	v4 =	vadd.s32 v6, v4;
	v6 =	vand.u32 $0x7FFFFF, v5  }
0x155: {  	s17 =	sadd.s32 $0x100, s17;
	s18 =	sadd.s32 $0x2000, s18;
	[tilespmem:v7+s24+$0x0] =	vst.idx.add.f32.msk vm1, v1;
	v5 =	vor.u32 $0x3F800000, v2;
	v2 =	vadd.s32 $0xFFFFFF81, v4;
	v4 =	vor.u32 $0x3F800000, v6  }
0x156: {  	s0 =	sadd.s32 $0x1, s0  }
0x157: {  	p0 =	sne.s32 s0, $0x4  }
.Ltmp13:
0x158: {  	_ = 	snop;
	(pc) =	sbr.rel @p0 .LBB2_4-.Ltmp13, $1  }
0x159: {  	_ =	sdelay $0x3  }
0x15a: {  	v3 =	vcvt.s32.f32 v3;
	[tilespmem:$0x10800] =	vst v5  }
0x15b: {  	v2 =	vcvt.s32.f32 v2;
	[tilespmem:$0x10820] =	vst v4  }
0x15c: {  	[tilespmem:$0x10810] =	vst v3  }
0x15d: {  	[tilespmem:$0x10830] =	vst v2  }
0x15e: {  	[hbm4b:s14+s4] =	stream.linear.scatter [tilespmem:s24], [sflag:$0x5], $0x800, $0x38;
	[tilespmem:$0x10880] =	vst v63  }
0x15f: {  	s31 =	sadd.s32 $0x1, s31;
	_ =	swait.ge [sflag:s29], $0x800  }
0x160: {  	p0 =	sne.s32 s31, s16;
	[sflag:s29] =	ssyncset.done $0x0  }
.Ltmp14:
0x161: {  	s0 =	simm.s32 $0x10800;
	[sflag:s29] =	ssyncadd.s32 $0xFFFFF800;
	(pc) =	sbr.rel @p0 .LBB2_1-.Ltmp14, $4  }
0x162: {  	[hbm4b:s15+s4] =	stream.linear.scatter [tilespmem:s0], [sflag:$0x5], $0x80, $0x38;
	[tilespmem:$0x10880] =	vst v63  }
0x163: {  	_ =	swait.ge [sflag:s29], $0x80  }
0x164: {  	[sflag:s29] =	ssyncset.done $0x0  }
0x165: {  	[sflag:s29] =	ssyncadd.s32 $0xFFFFFF80  }
0x166: {  	_ =	sfence.sel $0x180000  }
0x167: {  	[bflag:$0x0] =	sbarrier.arrive $0xFFFF  }
0x168: {  	_ =	strace $0x90000047  }
0x169: {  	s0 =	stileid.u32;
	[bflag:$0x2] =	sbarrier.arrive $0xFFFF  }
0x16a: {  	p0 =	sne.s32 s0, $0x0;
	s0 =	rddreg [dreg:$0x3]  }
0x16b: {  	s0 =	sadd.s32 @!p0 $0x100000, s0  }
0x16c: {  	[sflag:s0] =	ssyncadd.tile.s32 @!p0 $0x1;
	_ =	shalt  }
.Lfunc_end2:
_tile_overlayer_lowered:
.L_overlay_start_2:
0x16d: {  	(tag) =	ssettag $0x2  }
0x16e: {  	s0 =	rddreg [dreg:$0x0];
	s2 =	stileid.u32  }
0x16f: {  	s1 =	rddreg [dreg:$0x1];
	p0 =	sne.s32 s2, $0x0  }
0x170: {  	s3 =	rddreg [dreg:$0x2];
	[bflag:$0x3] =	sbarrier.arrive $0xFFFF;
	s2 =	simm.s32 @!p0 $0x1C05  }
0x171: {  	[timem:s3], [sflag:s2] =	dma.local @!p0 [hbm:s0], s1  }
0x172: {  	s0 =	simm.s32 @!p0 $0x5  }
0x173: {  	_ =	swait.ge @!p0 [sflag:s0], s1  }
0x174: {  	s1 =	ssub.s32 @!p0 $0x0, s1;
	[sflag:s0] =	ssyncset.done @!p0 $0x0  }
0x175: {  	[sflag:s0] =	ssyncadd.s32 @!p0 s1  }
0x176: {  	[bflag:$0x3] =	sbarrier.arrive $0xFFFF  }
0x177: {  	_ =	shalt  }

</sc_bundles>
